<compile_context>
chip_gen: v7x
topology: tpu7x:2x2x1
jax: 0.10.2.dev20260603
libtpu: 0.0.44.dev20260713+nightly
codegen_flags: <defaults>
</compile_context>

<pallas_src>
import jax
import jax.numpy as jnp
from jax import lax
from jax.experimental import pallas as pl
from jax.experimental.pallas import tpu as pltpu
from jax.experimental.pallas import tpu_sc as plsc

_N = 1048576
_D = 64
_C = 8
_EPS = 1e-5
_NC = 2
_NS = 16
_NW = _NC * _NS
_ROWS_PER_W = _N // _NW
_CH = 256
_NSLOT = 3
_NCHUNK = _ROWS_PER_W // _CH


def _rsqrt_nr(v):
    ii = lax.bitcast_convert_type(v, jnp.int32)
    y = lax.bitcast_convert_type(jnp.int32(0x5F3759DF) - (ii >> 1), jnp.float32)
    for _ in range(2):
        y = y * (1.5 - 0.5 * v * y * y)
    return y


def _body(xt_hbm, lab_hbm, gb_hbm, out_hbm, xbuf, obuf, labbuf, gbbuf,
          semx, semlab, semout):
    wid = lax.axis_index("s") * _NC + lax.axis_index("c")
    base = wid * _ROWS_PER_W
    pltpu.sync_copy(gb_hbm, gbbuf)

    def start_in(cc, b):
        pltpu.async_copy(xt_hbm.at[:, pl.ds(base + cc * _CH, _CH)], xbuf.at[b],
                         semx.at[b])
        pltpu.async_copy(lab_hbm.at[pl.ds(base + cc * _CH, _CH)],
                         labbuf.at[pl.ds(b * _CH, _CH)], semlab.at[b])

    def wait_in(b):
        pltpu.make_async_copy(xt_hbm.at[:, pl.ds(0, _CH)], xbuf.at[b],
                              semx.at[b]).wait()
        pltpu.make_async_copy(lab_hbm.at[pl.ds(0, _CH)],
                              labbuf.at[pl.ds(0, _CH)], semlab.at[b]).wait()

    def start_out(cc, b):
        pltpu.async_copy(obuf.at[b], out_hbm.at[:, pl.ds(base + cc * _CH, _CH)],
                         semout.at[b])

    def wait_out(b):
        pltpu.make_async_copy(obuf.at[b], out_hbm.at[:, pl.ds(0, _CH)],
                              semout.at[b]).wait()

    mask_hi = jnp.full((16,), -65536, jnp.int32)

    def compute(b):
        @plsc.parallel_loop(0, _CH // 16, 1, unroll=2)
        def group(t):
            col = 16 * t
            lab64 = labbuf[pl.ds(b * _CH + col, 16)] * (_D + 1)
            zero = jnp.zeros((16,), jnp.float32)

            @plsc.parallel_loop(0, _D, 4, unroll=4,
                                carry=(zero, zero, zero, zero,
                                       zero, zero, zero, zero))
            def _pass1(d, acc):
                s0, s1, s2, s3, q0, q1, q2, q3 = acc
                w0 = xbuf[b, d, pl.ds(col, 16)]
                w1 = xbuf[b, d + 1, pl.ds(col, 16)]
                w2 = xbuf[b, d + 2, pl.ds(col, 16)]
                w3 = xbuf[b, d + 3, pl.ds(col, 16)]
                return (s0 + w0, s1 + w1, s2 + w2, s3 + w3,
                        q0 + w0 * w0, q1 + w1 * w1,
                        q2 + w2 * w2, q3 + w3 * w3)

            s0, s1, s2, s3, q0, q1, q2, q3 = _pass1
            mean = ((s0 + s1) + (s2 + s3)) * (1.0 / _D)
            qq = (q0 + q1) + (q2 + q3)
            var = qq * (1.0 / _D) - mean * mean
            rstd = _rsqrt_nr(var + _EPS)
            @plsc.parallel_loop(0, _D, 1, unroll=16)
            def _pass2(d):
                w = xbuf[b, d, pl.ds(col, 16)]
                pk = plsc.load_gather(gbbuf, [lab64 + d])
                g = lax.bitcast_convert_type(pk & mask_hi, jnp.float32)
                bt = lax.bitcast_convert_type(pk << 16, jnp.float32)
                obuf[b, d, pl.ds(col, 16)] = (w - mean) * rstd * g + bt


    for b in range(_NSLOT):
        start_in(b, b)

    def step(cc, carry):
        b = lax.rem(cc, _NSLOT)
        wait_in(b)
        @pl.when(cc >= _NSLOT)
        def _():
            wait_out(b)
        compute(b)
        start_out(cc, b)
        @pl.when(cc + _NSLOT < _NCHUNK)
        def _():
            start_in(cc + _NSLOT, b)
        return carry

    lax.fori_loop(0, _NCHUNK, step, 0)
    for b in range(_NSLOT):
        wait_out(b)


def kernel(x, labels, gamma, beta):
    g16 = lax.bitcast_convert_type(gamma.astype(jnp.bfloat16), jnp.uint16)
    b16 = lax.bitcast_convert_type(beta.astype(jnp.bfloat16), jnp.uint16)
    gb = (g16.astype(jnp.int32) << 16) | b16.astype(jnp.int32)
    gb = jnp.pad(gb, ((0, 0), (0, 1)))

    mesh = plsc.VectorSubcoreMesh(core_axis_name="c", subcore_axis_name="s")
    f = pl.kernel(
        _body,
        out_type=jax.ShapeDtypeStruct((_D, _N), jnp.float32),
        mesh=mesh,
        compiler_params=pltpu.CompilerParams(needs_layout_passes=False),
        scratch_types=[
            pltpu.VMEM((_NSLOT, _D, _CH), jnp.float32),
            pltpu.VMEM((_NSLOT, _D, _CH), jnp.float32),
            pltpu.VMEM((_NSLOT * _CH,), jnp.int32),
            pltpu.VMEM((_C * (_D + 1),), jnp.int32),
            pltpu.SemaphoreType.DMA((_NSLOT,)),
            pltpu.SemaphoreType.DMA((_NSLOT,)),
            pltpu.SemaphoreType.DMA((_NSLOT,)),
        ],
    )
    out_t = f(x.T, labels, gb.reshape(-1))
    return out_t.T

# --- scband reference (transcript-rebuilt; emitter-appended) ---
"""Pipeline reference for scband-multi-normalization-46291157516610 (READ-ONLY COPY).

The authoritative reference and input builder live on the scoring server;
editing this copy changes nothing except your own understanding.
"""

import jax, jax.numpy as jnp
import numpy as np

N = 1048576
D = 64
C = 8
EPS = 1e-5

def setup_inputs(seed: int = 0) -> dict:
    key = jax.random.key(seed)
    k1, k2, k3, k4 = jax.random.split(key, 4)
    x = jax.random.normal(k1, (N, D), dtype=jnp.float32)
    labels = jax.random.randint(k2, (N,), 0, C, dtype=jnp.int32)
    # Per-class LayerNorm affine parameters (one norm module per class)
    gamma = 1.0 + 0.1 * jax.random.normal(k3, (C, D), dtype=jnp.float32)
    beta = 0.1 * jax.random.normal(k4, (C, D), dtype=jnp.float32)
    return {"x": x, "labels": labels, "gamma": gamma, "beta": beta}

def reference(x, labels, gamma, beta):
    # MultiNormalization.forward: for each class lbl, x[labels==lbl] = norm_lbl(x[labels==lbl])
    # norm_lbl = LayerNorm(D) with its own affine params. LayerNorm is row-wise, so
    # normalizing the masked subset equals normalizing all rows then masked writeback.
    mean = jnp.mean(x, axis=-1, keepdims=True)
    var = jnp.var(x, axis=-1, keepdims=True)
    xn = (x - mean) / jnp.sqrt(var + EPS)
    out = x
    for c in range(C):
        mask = (labels == c)[:, None]
        y = xn * gamma[c] + beta[c]
        out = jnp.where(mask, y, out)  # masked scatter-overwrite, mirrors x[idx] = ...
    return out

if __name__ == "__main__":
    import jax
    _d = setup_inputs()
    print(jax.jit(kernel)(*tuple(_d.values())))

</pallas_src>

<mosaic_0001>
#map = affine_map<(d0, d1) -> (0, 0)>
#map1 = affine_map<(d0, d1) -> (0)>
module attributes {stable_mosaic.version = 14 : i64} {
  func.func @_body(%arg0: i32, %arg1: i32, %arg2: memref<64x1048576xf32, #tpu.memory_space<hbm>>, %arg3: memref<1048576xi32, #tpu.memory_space<hbm>>, %arg4: memref<520xi32, #tpu.memory_space<hbm>>, %arg5: memref<64x1048576xf32, #tpu.memory_space<hbm>>, %arg6: memref<3x64x256xf32, #tpu.memory_space<vmem>>, %arg7: memref<3x64x256xf32, #tpu.memory_space<vmem>>, %arg8: memref<768xi32, #tpu.memory_space<vmem>>, %arg9: memref<520xi32, #tpu.memory_space<vmem>>, %arg10: memref<3x!tpu.dma_semaphore, #tpu.memory_space<semaphore_mem>>, %arg11: memref<3x!tpu.dma_semaphore, #tpu.memory_space<semaphore_mem>>, %arg12: memref<3x!tpu.dma_semaphore, #tpu.memory_space<semaphore_mem>>) attributes {dimension_semantics = [#tpu.dimension_semantics<core_parallel>, #tpu.dimension_semantics<subcore_parallel>], iteration_bounds = array<i64: 2, 16>, scalar_prefetch = 0 : i64, scratch_operands = 7 : i64, tpu.core_type = #tpu.core_type<sc_vector_subcore>, window_params = [{transform_indices = #map}, {transform_indices = #map1}, {transform_indices = #map1}, {transform_indices = #map}]} {
    %mul3A = arith.constant 2 : i32
    %mul3A_0 = arith.muli %arg1, %mul3A : i32
    %add3A = arith.addi %mul3A_0, %arg0 : i32
    %mul3A_1 = arith.constant 32768 : i32
    %mul3A_2 = arith.muli %add3A, %mul3A_1 : i32
    "tpu.region"() ({
      %run_scoped3A = tpu.sem_alloc : memref<!tpu.dma_semaphore, #tpu.memory_space<semaphore_mem>>
      tpu.enqueue_dma source(%arg4 : memref<520xi32, #tpu.memory_space<hbm>>) target(%arg9 : memref<520xi32, #tpu.memory_space<vmem>>) target_semaphore(%run_scoped3A : memref<!tpu.dma_semaphore, #tpu.memory_space<semaphore_mem>>)
      tpu.wait_dma2 semaphore(%run_scoped3A : memref<!tpu.dma_semaphore, #tpu.memory_space<semaphore_mem>>) src(%arg4 : memref<520xi32, #tpu.memory_space<hbm>>) dst(%arg9 : memref<520xi32, #tpu.memory_space<vmem>>)
      tpu.yield
    }) : () -> ()
    %broadcast_in_dim3A = arith.constant -65536 : i32
    %broadcast_in_dim3A_3 = vector.broadcast %broadcast_in_dim3A : i32 to vector<16xi32>
    %add3A_4 = arith.constant 0 : i32
    %add3A_5 = arith.addi %mul3A_2, %add3A_4 : i32
    %dma_start3A = arith.constant 0 : i32
    %dma_start3A_6 = arith.constant 0 : i32
    %dma_start3A_7 = arith.constant 0 : i32
    %dma_start3A_8 = arith.constant 0 : i32
    %dma_start3A_9 = tpu.memref_slice %arg6[%dma_start3A, %dma_start3A_7, %dma_start3A_8] : memref<3x64x256xf32, #tpu.memory_space<vmem>> -> memref<1x64x256xf32, #tpu.memory_space<vmem>>
    %dma_start3A_10 = tpu.memref_squeeze %dma_start3A_9 : memref<1x64x256xf32, #tpu.memory_space<vmem>> -> memref<64x256xf32, #tpu.memory_space<vmem>>
    %dma_start3A_11 = arith.constant 0 : i32
    %dma_start3A_12 = tpu.memref_slice %arg2[%dma_start3A_11, %add3A_5] : memref<64x1048576xf32, #tpu.memory_space<hbm>> -> memref<64x256xf32, #tpu.memory_space<hbm>>
    %dma_start3A_13 = tpu.memref_slice %arg10[%dma_start3A_6] : memref<3x!tpu.dma_semaphore, #tpu.memory_space<semaphore_mem>> -> memref<1x!tpu.dma_semaphore, #tpu.memory_space<semaphore_mem>>
    %dma_start3A_14 = tpu.memref_squeeze %dma_start3A_13 : memref<1x!tpu.dma_semaphore, #tpu.memory_space<semaphore_mem>> -> memref<!tpu.dma_semaphore, #tpu.memory_space<semaphore_mem>>
    %dma_start3A_15 = arith.constant 0 : i32
    %dma_start3A_16 = arith.constant 0 : i32
    %dma_start3A_17 = tpu.memref_slice %arg6[%dma_start3A, %dma_start3A_15, %dma_start3A_16] : memref<3x64x256xf32, #tpu.memory_space<vmem>> -> memref<1x64x256xf32, #tpu.memory_space<vmem>>
    %dma_start3A_18 = tpu.memref_squeeze %dma_start3A_17 : memref<1x64x256xf32, #tpu.memory_space<vmem>> -> memref<64x256xf32, #tpu.memory_space<vmem>>
    %dma_start3A_19 = arith.constant 0 : i32
    %dma_start3A_20 = tpu.memref_slice %arg2[%dma_start3A_19, %add3A_5] : memref<64x1048576xf32, #tpu.memory_space<hbm>> -> memref<64x256xf32, #tpu.memory_space<hbm>>
    tpu.enqueue_dma source(%dma_start3A_20 : memref<64x256xf32, #tpu.memory_space<hbm>>) target(%dma_start3A_18 : memref<64x256xf32, #tpu.memory_space<vmem>>) target_semaphore(%dma_start3A_14 : memref<!tpu.dma_semaphore, #tpu.memory_space<semaphore_mem>>)
    %add3A_21 = arith.constant 0 : i32
    %add3A_22 = arith.addi %mul3A_2, %add3A_21 : i32
    %dma_start3A_23 = arith.constant 0 : i32
    %dma_start3A_24 = arith.constant 0 : i32
    %dma_start3A_25 = tpu.memref_slice %arg8[%dma_start3A_24] : memref<768xi32, #tpu.memory_space<vmem>> -> memref<256xi32, #tpu.memory_space<vmem>>
    %dma_start3A_26 = tpu.memref_slice %arg3[%add3A_22] : memref<1048576xi32, #tpu.memory_space<hbm>> -> memref<256xi32, #tpu.memory_space<hbm>>
    %dma_start3A_27 = tpu.memref_slice %arg11[%dma_start3A_23] : memref<3x!tpu.dma_semaphore, #tpu.memory_space<semaphore_mem>> -> memref<1x!tpu.dma_semaphore, #tpu.memory_space<semaphore_mem>>
    %dma_start3A_28 = tpu.memref_squeeze %dma_start3A_27 : memref<1x!tpu.dma_semaphore, #tpu.memory_space<semaphore_mem>> -> memref<!tpu.dma_semaphore, #tpu.memory_space<semaphore_mem>>
    %dma_start3A_29 = arith.constant 0 : i32
    %dma_start3A_30 = tpu.memref_slice %arg8[%dma_start3A_29] : memref<768xi32, #tpu.memory_space<vmem>> -> memref<256xi32, #tpu.memory_space<vmem>>
    %dma_start3A_31 = tpu.memref_slice %arg3[%add3A_22] : memref<1048576xi32, #tpu.memory_space<hbm>> -> memref<256xi32, #tpu.memory_space<hbm>>
    tpu.enqueue_dma source(%dma_start3A_31 : memref<256xi32, #tpu.memory_space<hbm>>) target(%dma_start3A_30 : memref<256xi32, #tpu.memory_space<vmem>>) target_semaphore(%dma_start3A_28 : memref<!tpu.dma_semaphore, #tpu.memory_space<semaphore_mem>>)
    %add3A_32 = arith.constant 256 : i32
    %add3A_33 = arith.addi %mul3A_2, %add3A_32 : i32
    %dma_start3A_34 = arith.constant 1 : i32
    %dma_start3A_35 = arith.constant 1 : i32
    %dma_start3A_36 = arith.constant 0 : i32
    %dma_start3A_37 = arith.constant 0 : i32
    %dma_start3A_38 = tpu.memref_slice %arg6[%dma_start3A_34, %dma_start3A_36, %dma_start3A_37] : memref<3x64x256xf32, #tpu.memory_space<vmem>> -> memref<1x64x256xf32, #tpu.memory_space<vmem>>
    %dma_start3A_39 = tpu.memref_squeeze %dma_start3A_38 : memref<1x64x256xf32, #tpu.memory_space<vmem>> -> memref<64x256xf32, #tpu.memory_space<vmem>>
    %dma_start3A_40 = arith.constant 0 : i32
    %dma_start3A_41 = tpu.memref_slice %arg2[%dma_start3A_40, %add3A_33] : memref<64x1048576xf32, #tpu.memory_space<hbm>> -> memref<64x256xf32, #tpu.memory_space<hbm>>
    %dma_start3A_42 = tpu.memref_slice %arg10[%dma_start3A_35] : memref<3x!tpu.dma_semaphore, #tpu.memory_space<semaphore_mem>> -> memref<1x!tpu.dma_semaphore, #tpu.memory_space<semaphore_mem>>
    %dma_start3A_43 = tpu.memref_squeeze %dma_start3A_42 : memref<1x!tpu.dma_semaphore, #tpu.memory_space<semaphore_mem>> -> memref<!tpu.dma_semaphore, #tpu.memory_space<semaphore_mem>>
    %dma_start3A_44 = arith.constant 0 : i32
    %dma_start3A_45 = arith.constant 0 : i32
    %dma_start3A_46 = tpu.memref_slice %arg6[%dma_start3A_34, %dma_start3A_44, %dma_start3A_45] : memref<3x64x256xf32, #tpu.memory_space<vmem>> -> memref<1x64x256xf32, #tpu.memory_space<vmem>>
    %dma_start3A_47 = tpu.memref_squeeze %dma_start3A_46 : memref<1x64x256xf32, #tpu.memory_space<vmem>> -> memref<64x256xf32, #tpu.memory_space<vmem>>
    %dma_start3A_48 = arith.constant 0 : i32
    %dma_start3A_49 = tpu.memref_slice %arg2[%dma_start3A_48, %add3A_33] : memref<64x1048576xf32, #tpu.memory_space<hbm>> -> memref<64x256xf32, #tpu.memory_space<hbm>>
    tpu.enqueue_dma source(%dma_start3A_49 : memref<64x256xf32, #tpu.memory_space<hbm>>) target(%dma_start3A_47 : memref<64x256xf32, #tpu.memory_space<vmem>>) target_semaphore(%dma_start3A_43 : memref<!tpu.dma_semaphore, #tpu.memory_space<semaphore_mem>>)
    %add3A_50 = arith.constant 256 : i32
    %add3A_51 = arith.addi %mul3A_2, %add3A_50 : i32
    %dma_start3A_52 = arith.constant 1 : i32
    %dma_start3A_53 = arith.constant 256 : i32
    %dma_start3A_54 = tpu.memref_slice %arg8[%dma_start3A_53] : memref<768xi32, #tpu.memory_space<vmem>> -> memref<256xi32, #tpu.memory_space<vmem>>
    %dma_start3A_55 = tpu.memref_slice %arg3[%add3A_51] : memref<1048576xi32, #tpu.memory_space<hbm>> -> memref<256xi32, #tpu.memory_space<hbm>>
    %dma_start3A_56 = tpu.memref_slice %arg11[%dma_start3A_52] : memref<3x!tpu.dma_semaphore, #tpu.memory_space<semaphore_mem>> -> memref<1x!tpu.dma_semaphore, #tpu.memory_space<semaphore_mem>>
    %dma_start3A_57 = tpu.memref_squeeze %dma_start3A_56 : memref<1x!tpu.dma_semaphore, #tpu.memory_space<semaphore_mem>> -> memref<!tpu.dma_semaphore, #tpu.memory_space<semaphore_mem>>
    %dma_start3A_58 = arith.constant 256 : i32
    %dma_start3A_59 = tpu.memref_slice %arg8[%dma_start3A_58] : memref<768xi32, #tpu.memory_space<vmem>> -> memref<256xi32, #tpu.memory_space<vmem>>
    %dma_start3A_60 = tpu.memref_slice %arg3[%add3A_51] : memref<1048576xi32, #tpu.memory_space<hbm>> -> memref<256xi32, #tpu.memory_space<hbm>>
    tpu.enqueue_dma source(%dma_start3A_60 : memref<256xi32, #tpu.memory_space<hbm>>) target(%dma_start3A_59 : memref<256xi32, #tpu.memory_space<vmem>>) target_semaphore(%dma_start3A_57 : memref<!tpu.dma_semaphore, #tpu.memory_space<semaphore_mem>>)
    %add3A_61 = arith.constant 512 : i32
    %add3A_62 = arith.addi %mul3A_2, %add3A_61 : i32
    %dma_start3A_63 = arith.constant 2 : i32
    %dma_start3A_64 = arith.constant 2 : i32
    %dma_start3A_65 = arith.constant 0 : i32
    %dma_start3A_66 = arith.constant 0 : i32
    %dma_start3A_67 = tpu.memref_slice %arg6[%dma_start3A_63, %dma_start3A_65, %dma_start3A_66] : memref<3x64x256xf32, #tpu.memory_space<vmem>> -> memref<1x64x256xf32, #tpu.memory_space<vmem>>
    %dma_start3A_68 = tpu.memref_squeeze %dma_start3A_67 : memref<1x64x256xf32, #tpu.memory_space<vmem>> -> memref<64x256xf32, #tpu.memory_space<vmem>>
    %dma_start3A_69 = arith.constant 0 : i32
    %dma_start3A_70 = tpu.memref_slice %arg2[%dma_start3A_69, %add3A_62] : memref<64x1048576xf32, #tpu.memory_space<hbm>> -> memref<64x256xf32, #tpu.memory_space<hbm>>
    %dma_start3A_71 = tpu.memref_slice %arg10[%dma_start3A_64] : memref<3x!tpu.dma_semaphore, #tpu.memory_space<semaphore_mem>> -> memref<1x!tpu.dma_semaphore, #tpu.memory_space<semaphore_mem>>
    %dma_start3A_72 = tpu.memref_squeeze %dma_start3A_71 : memref<1x!tpu.dma_semaphore, #tpu.memory_space<semaphore_mem>> -> memref<!tpu.dma_semaphore, #tpu.memory_space<semaphore_mem>>
    %dma_start3A_73 = arith.constant 0 : i32
    %dma_start3A_74 = arith.constant 0 : i32
    %dma_start3A_75 = tpu.memref_slice %arg6[%dma_start3A_63, %dma_start3A_73, %dma_start3A_74] : memref<3x64x256xf32, #tpu.memory_space<vmem>> -> memref<1x64x256xf32, #tpu.memory_space<vmem>>
    %dma_start3A_76 = tpu.memref_squeeze %dma_start3A_75 : memref<1x64x256xf32, #tpu.memory_space<vmem>> -> memref<64x256xf32, #tpu.memory_space<vmem>>
    %dma_start3A_77 = arith.constant 0 : i32
    %dma_start3A_78 = tpu.memref_slice %arg2[%dma_start3A_77, %add3A_62] : memref<64x1048576xf32, #tpu.memory_space<hbm>> -> memref<64x256xf32, #tpu.memory_space<hbm>>
    tpu.enqueue_dma source(%dma_start3A_78 : memref<64x256xf32, #tpu.memory_space<hbm>>) target(%dma_start3A_76 : memref<64x256xf32, #tpu.memory_space<vmem>>) target_semaphore(%dma_start3A_72 : memref<!tpu.dma_semaphore, #tpu.memory_space<semaphore_mem>>)
    %add3A_79 = arith.constant 512 : i32
    %add3A_80 = arith.addi %mul3A_2, %add3A_79 : i32
    %dma_start3A_81 = arith.constant 2 : i32
    %dma_start3A_82 = arith.constant 512 : i32
    %dma_start3A_83 = tpu.memref_slice %arg8[%dma_start3A_82] : memref<768xi32, #tpu.memory_space<vmem>> -> memref<256xi32, #tpu.memory_space<vmem>>
    %dma_start3A_84 = tpu.memref_slice %arg3[%add3A_80] : memref<1048576xi32, #tpu.memory_space<hbm>> -> memref<256xi32, #tpu.memory_space<hbm>>
    %dma_start3A_85 = tpu.memref_slice %arg11[%dma_start3A_81] : memref<3x!tpu.dma_semaphore, #tpu.memory_space<semaphore_mem>> -> memref<1x!tpu.dma_semaphore, #tpu.memory_space<semaphore_mem>>
    %dma_start3A_86 = tpu.memref_squeeze %dma_start3A_85 : memref<1x!tpu.dma_semaphore, #tpu.memory_space<semaphore_mem>> -> memref<!tpu.dma_semaphore, #tpu.memory_space<semaphore_mem>>
    %dma_start3A_87 = arith.constant 512 : i32
    %dma_start3A_88 = tpu.memref_slice %arg8[%dma_start3A_87] : memref<768xi32, #tpu.memory_space<vmem>> -> memref<256xi32, #tpu.memory_space<vmem>>
    %dma_start3A_89 = tpu.memref_slice %arg3[%add3A_80] : memref<1048576xi32, #tpu.memory_space<hbm>> -> memref<256xi32, #tpu.memory_space<hbm>>
    tpu.enqueue_dma source(%dma_start3A_89 : memref<256xi32, #tpu.memory_space<hbm>>) target(%dma_start3A_88 : memref<256xi32, #tpu.memory_space<vmem>>) target_semaphore(%dma_start3A_86 : memref<!tpu.dma_semaphore, #tpu.memory_space<semaphore_mem>>)
    %scan3A = arith.constant 0 : i32
    %scan3A_90 = arith.constant 0 : i32
    %scan3A_91 = arith.constant 128 : i32
    %scan3A_92 = arith.addi %scan3A_90, %scan3A_91 : i32
    %scan3A_93 = arith.constant 1 : i32
    scf.for %scan3A_148 = %scan3A_90 to %scan3A_92 step %scan3A_93  : i32 {
      %rem3A = arith.constant 3 : i32
      %rem3A_149 = arith.remsi %scan3A_148, %rem3A : i32
      %dma_wait3A_150 = arith.constant 0 : i32
      %dma_wait3A_151 = arith.constant 0 : i32
      %dma_wait3A_152 = tpu.memref_slice %arg6[%rem3A_149, %dma_wait3A_150, %dma_wait3A_151] : memref<3x64x256xf32, #tpu.memory_space<vmem>> -> memref<1x64x256xf32, #tpu.memory_space<vmem>>
      %dma_wait3A_153 = tpu.memref_squeeze %dma_wait3A_152 : memref<1x64x256xf32, #tpu.memory_space<vmem>> -> memref<64x256xf32, #tpu.memory_space<vmem>>
      %dma_wait3A_154 = arith.constant 0 : i32
      %dma_wait3A_155 = arith.constant 0 : i32
      %dma_wait3A_156 = tpu.memref_slice %arg2[%dma_wait3A_154, %dma_wait3A_155] : memref<64x1048576xf32, #tpu.memory_space<hbm>> -> memref<64x256xf32, #tpu.memory_space<hbm>>
      %dma_wait3A_157 = tpu.memref_slice %arg10[%rem3A_149] : memref<3x!tpu.dma_semaphore, #tpu.memory_space<semaphore_mem>> -> memref<1x!tpu.dma_semaphore, #tpu.memory_space<semaphore_mem>>
      %dma_wait3A_158 = tpu.memref_squeeze %dma_wait3A_157 : memref<1x!tpu.dma_semaphore, #tpu.memory_space<semaphore_mem>> -> memref<!tpu.dma_semaphore, #tpu.memory_space<semaphore_mem>>
      %dma_wait3A_159 = arith.constant 0 : i32
      %dma_wait3A_160 = arith.constant 0 : i32
      %dma_wait3A_161 = tpu.memref_slice %arg6[%rem3A_149, %dma_wait3A_159, %dma_wait3A_160] : memref<3x64x256xf32, #tpu.memory_space<vmem>> -> memref<1x64x256xf32, #tpu.memory_space<vmem>>
      %dma_wait3A_162 = tpu.memref_squeeze %dma_wait3A_161 : memref<1x64x256xf32, #tpu.memory_space<vmem>> -> memref<64x256xf32, #tpu.memory_space<vmem>>
      %dma_wait3A_163 = arith.constant 0 : i32
      %dma_wait3A_164 = arith.constant 0 : i32
      %dma_wait3A_165 = tpu.memref_slice %arg2[%dma_wait3A_163, %dma_wait3A_164] : memref<64x1048576xf32, #tpu.memory_space<hbm>> -> memref<64x256xf32, #tpu.memory_space<hbm>>
      tpu.wait_dma2 semaphore(%dma_wait3A_158 : memref<!tpu.dma_semaphore, #tpu.memory_space<semaphore_mem>>) src(%dma_wait3A_165 : memref<64x256xf32, #tpu.memory_space<hbm>>) dst(%dma_wait3A_162 : memref<64x256xf32, #tpu.memory_space<vmem>>)
      %dma_wait3A_166 = arith.constant 0 : i32
      %dma_wait3A_167 = tpu.memref_slice %arg8[%dma_wait3A_166] : memref<768xi32, #tpu.memory_space<vmem>> -> memref<256xi32, #tpu.memory_space<vmem>>
      %dma_wait3A_168 = arith.constant 0 : i32
      %dma_wait3A_169 = tpu.memref_slice %arg3[%dma_wait3A_168] : memref<1048576xi32, #tpu.memory_space<hbm>> -> memref<256xi32, #tpu.memory_space<hbm>>
      %dma_wait3A_170 = tpu.memref_slice %arg11[%rem3A_149] : memref<3x!tpu.dma_semaphore, #tpu.memory_space<semaphore_mem>> -> memref<1x!tpu.dma_semaphore, #tpu.memory_space<semaphore_mem>>
      %dma_wait3A_171 = tpu.memref_squeeze %dma_wait3A_170 : memref<1x!tpu.dma_semaphore, #tpu.memory_space<semaphore_mem>> -> memref<!tpu.dma_semaphore, #tpu.memory_space<semaphore_mem>>
      %dma_wait3A_172 = arith.constant 0 : i32
      %dma_wait3A_173 = tpu.memref_slice %arg8[%dma_wait3A_172] : memref<768xi32, #tpu.memory_space<vmem>> -> memref<256xi32, #tpu.memory_space<vmem>>
      %dma_wait3A_174 = arith.constant 0 : i32
      %dma_wait3A_175 = tpu.memref_slice %arg3[%dma_wait3A_174] : memref<1048576xi32, #tpu.memory_space<hbm>> -> memref<256xi32, #tpu.memory_space<hbm>>
      tpu.wait_dma2 semaphore(%dma_wait3A_171 : memref<!tpu.dma_semaphore, #tpu.memory_space<semaphore_mem>>) src(%dma_wait3A_175 : memref<256xi32, #tpu.memory_space<hbm>>) dst(%dma_wait3A_173 : memref<256xi32, #tpu.memory_space<vmem>>)
      %ge3A = arith.constant 3 : i32
      %ge3A_176 = arith.cmpi sge, %scan3A_148, %ge3A : i32
      %convert_element_type3A = arith.extui %ge3A_176 : i1 to i32
      %cond3A = arith.constant 0 : i32
      %cond3A_177 = arith.cmpi ne, %convert_element_type3A, %cond3A : i32
      scf.if %cond3A_177 {
        %dma_wait3A_203 = arith.constant 0 : i32
        %dma_wait3A_204 = arith.constant 0 : i32
        %dma_wait3A_205 = tpu.memref_slice %arg7[%rem3A_149, %dma_wait3A_203, %dma_wait3A_204] : memref<3x64x256xf32, #tpu.memory_space<vmem>> -> memref<1x64x256xf32, #tpu.memory_space<vmem>>
        %dma_wait3A_206 = tpu.memref_squeeze %dma_wait3A_205 : memref<1x64x256xf32, #tpu.memory_space<vmem>> -> memref<64x256xf32, #tpu.memory_space<vmem>>
        %dma_wait3A_207 = arith.constant 0 : i32
        %dma_wait3A_208 = arith.constant 0 : i32
        %dma_wait3A_209 = tpu.memref_slice %arg5[%dma_wait3A_207, %dma_wait3A_208] : memref<64x1048576xf32, #tpu.memory_space<hbm>> -> memref<64x256xf32, #tpu.memory_space<hbm>>
        %dma_wait3A_210 = tpu.memref_slice %arg12[%rem3A_149] : memref<3x!tpu.dma_semaphore, #tpu.memory_space<semaphore_mem>> -> memref<1x!tpu.dma_semaphore, #tpu.memory_space<semaphore_mem>>
        %dma_wait3A_211 = tpu.memref_squeeze %dma_wait3A_210 : memref<1x!tpu.dma_semaphore, #tpu.memory_space<semaphore_mem>> -> memref<!tpu.dma_semaphore, #tpu.memory_space<semaphore_mem>>
        %dma_wait3A_212 = arith.constant 0 : i32
        %dma_wait3A_213 = arith.constant 0 : i32
        %dma_wait3A_214 = tpu.memref_slice %arg5[%dma_wait3A_212, %dma_wait3A_213] : memref<64x1048576xf32, #tpu.memory_space<hbm>> -> memref<64x256xf32, #tpu.memory_space<hbm>>
        %dma_wait3A_215 = arith.constant 0 : i32
        %dma_wait3A_216 = arith.constant 0 : i32
        %dma_wait3A_217 = tpu.memref_slice %arg7[%rem3A_149, %dma_wait3A_215, %dma_wait3A_216] : memref<3x64x256xf32, #tpu.memory_space<vmem>> -> memref<1x64x256xf32, #tpu.memory_space<vmem>>
        %dma_wait3A_218 = tpu.memref_squeeze %dma_wait3A_217 : memref<1x64x256xf32, #tpu.memory_space<vmem>> -> memref<64x256xf32, #tpu.memory_space<vmem>>
        tpu.wait_dma2 semaphore(%dma_wait3A_211 : memref<!tpu.dma_semaphore, #tpu.memory_space<semaphore_mem>>) src(%dma_wait3A_218 : memref<64x256xf32, #tpu.memory_space<vmem>>) dst(%dma_wait3A_214 : memref<64x256xf32, #tpu.memory_space<hbm>>)
      } else {
      }
      %parallel_loop3A = arith.constant 0 : i32
      %parallel_loop3A_178 = arith.constant 16 : i32
      %parallel_loop3A_179 = arith.constant 1 : i32
      scf.for %parallel_loop3A_203 = %parallel_loop3A to %parallel_loop3A_178 step %parallel_loop3A_179  : i32 {
        %parallel_loop3A_204 = arith.constant 16 : i32
        %parallel_loop3A_205 = arith.muli %parallel_loop3A_204, %parallel_loop3A_203 : i32
        %parallel_loop3A_206 = arith.constant 256 : i32
        %parallel_loop3A_207 = arith.muli %rem3A_149, %parallel_loop3A_206 : i32
        %parallel_loop3A_208 = arith.addi %parallel_loop3A_207, %parallel_loop3A_205 : i32
        %parallel_loop3A_209 = arith.index_cast %parallel_loop3A_208 : i32 to index
        %parallel_loop3A_210 = tpu.vector_load %arg8[%parallel_loop3A_209] {strides = array<i32>} : memref<768xi32, #tpu.memory_space<vmem>>, vector<16xi32>,
        %parallel_loop3A_211 = arith.constant 65 : i32
        %parallel_loop3A_212 = vector.broadcast %parallel_loop3A_211 : i32 to vector<16xi32>
        %parallel_loop3A_213 = arith.muli %parallel_loop3A_210, %parallel_loop3A_212 : vector<16xi32>
        %parallel_loop3A_214 = arith.constant 0.000000e+00 : f32
        %parallel_loop3A_215 = vector.broadcast %parallel_loop3A_214 : f32 to vector<16xf32>
        %parallel_loop3A_216 = arith.constant 0 : i32
        %parallel_loop3A_217 = arith.constant 64 : i32
        %parallel_loop3A_218 = arith.constant 4 : i32
        %parallel_loop3A_219:8 = scf.for %parallel_loop3A_266 = %parallel_loop3A_216 to %parallel_loop3A_217 step %parallel_loop3A_218 iter_args(%parallel_loop3A_267 = %parallel_loop3A_215, %parallel_loop3A_268 = %parallel_loop3A_215, %parallel_loop3A_269 = %parallel_loop3A_215, %parallel_loop3A_270 = %parallel_loop3A_215, %parallel_loop3A_271 = %parallel_loop3A_215, %parallel_loop3A_272 = %parallel_loop3A_215, %parallel_loop3A_273 = %parallel_loop3A_215, %parallel_loop3A_274 = %parallel_loop3A_215) -> (vector<16xf32>, vector<16xf32>, vector<16xf32>, vector<16xf32>, vector<16xf32>, vector<16xf32>, vector<16xf32>, vector<16xf32>)  : i32 {
          %parallel_loop3A_275 = arith.index_cast %rem3A_149 : i32 to index
          %parallel_loop3A_276 = arith.index_cast %parallel_loop3A_266 : i32 to index
          %parallel_loop3A_277 = arith.index_cast %parallel_loop3A_205 : i32 to index
          %parallel_loop3A_278 = tpu.vector_load %arg6[%parallel_loop3A_275, %parallel_loop3A_276, %parallel_loop3A_277] {strides = array<i32>} : memref<3x64x256xf32, #tpu.memory_space<vmem>>, vector<16xf32>,
          %parallel_loop3A_279 = arith.constant 1 : i32
          %parallel_loop3A_280 = arith.addi %parallel_loop3A_266, %parallel_loop3A_279 : i32
          %parallel_loop3A_281 = arith.index_cast %rem3A_149 : i32 to index
          %parallel_loop3A_282 = arith.index_cast %parallel_loop3A_280 : i32 to index
          %parallel_loop3A_283 = arith.index_cast %parallel_loop3A_205 : i32 to index
          %parallel_loop3A_284 = tpu.vector_load %arg6[%parallel_loop3A_281, %parallel_loop3A_282, %parallel_loop3A_283] {strides = array<i32>} : memref<3x64x256xf32, #tpu.memory_space<vmem>>, vector<16xf32>,
          %parallel_loop3A_285 = arith.constant 2 : i32
          %parallel_loop3A_286 = arith.addi %parallel_loop3A_266, %parallel_loop3A_285 : i32
          %parallel_loop3A_287 = arith.index_cast %rem3A_149 : i32 to index
          %parallel_loop3A_288 = arith.index_cast %parallel_loop3A_286 : i32 to index
          %parallel_loop3A_289 = arith.index_cast %parallel_loop3A_205 : i32 to index
          %parallel_loop3A_290 = tpu.vector_load %arg6[%parallel_loop3A_287, %parallel_loop3A_288, %parallel_loop3A_289] {strides = array<i32>} : memref<3x64x256xf32, #tpu.memory_space<vmem>>, vector<16xf32>,
          %parallel_loop3A_291 = arith.constant 3 : i32
          %parallel_loop3A_292 = arith.addi %parallel_loop3A_266, %parallel_loop3A_291 : i32
          %parallel_loop3A_293 = arith.index_cast %rem3A_149 : i32 to index
          %parallel_loop3A_294 = arith.index_cast %parallel_loop3A_292 : i32 to index
          %parallel_loop3A_295 = arith.index_cast %parallel_loop3A_205 : i32 to index
          %parallel_loop3A_296 = tpu.vector_load %arg6[%parallel_loop3A_293, %parallel_loop3A_294, %parallel_loop3A_295] {strides = array<i32>} : memref<3x64x256xf32, #tpu.memory_space<vmem>>, vector<16xf32>,
          %parallel_loop3A_297 = arith.addf %parallel_loop3A_267, %parallel_loop3A_278 : vector<16xf32>
          %parallel_loop3A_298 = arith.addf %parallel_loop3A_268, %parallel_loop3A_284 : vector<16xf32>
          %parallel_loop3A_299 = arith.addf %parallel_loop3A_269, %parallel_loop3A_290 : vector<16xf32>
          %parallel_loop3A_300 = arith.addf %parallel_loop3A_270, %parallel_loop3A_296 : vector<16xf32>
          %parallel_loop3A_301 = arith.mulf %parallel_loop3A_278, %parallel_loop3A_278 : vector<16xf32>
          %parallel_loop3A_302 = arith.addf %parallel_loop3A_271, %parallel_loop3A_301 : vector<16xf32>
          %parallel_loop3A_303 = arith.mulf %parallel_loop3A_284, %parallel_loop3A_284 : vector<16xf32>
          %parallel_loop3A_304 = arith.addf %parallel_loop3A_272, %parallel_loop3A_303 : vector<16xf32>
          %parallel_loop3A_305 = arith.mulf %parallel_loop3A_290, %parallel_loop3A_290 : vector<16xf32>
          %parallel_loop3A_306 = arith.addf %parallel_loop3A_273, %parallel_loop3A_305 : vector<16xf32>
          %parallel_loop3A_307 = arith.mulf %parallel_loop3A_296, %parallel_loop3A_296 : vector<16xf32>
          %parallel_loop3A_308 = arith.addf %parallel_loop3A_274, %parallel_loop3A_307 : vector<16xf32>
          scf.yield %parallel_loop3A_297, %parallel_loop3A_298, %parallel_loop3A_299, %parallel_loop3A_300, %parallel_loop3A_302, %parallel_loop3A_304, %parallel_loop3A_306, %parallel_loop3A_308 : vector<16xf32>, vector<16xf32>, vector<16xf32>, vector<16xf32>, vector<16xf32>, vector<16xf32>, vector<16xf32>, vector<16xf32>
        } {sc.loop_unroll_factor = 4 : i64, sc.parallel_access}
        %parallel_loop3A_220 = arith.addf %parallel_loop3A_219#0, %parallel_loop3A_219#1 : vector<16xf32>
        %parallel_loop3A_221 = arith.addf %parallel_loop3A_219#2, %parallel_loop3A_219#3 : vector<16xf32>
        %parallel_loop3A_222 = arith.addf %parallel_loop3A_220, %parallel_loop3A_221 : vector<16xf32>
        %parallel_loop3A_223 = arith.constant 1.562500e-02 : f32
        %parallel_loop3A_224 = vector.broadcast %parallel_loop3A_223 : f32 to vector<16xf32>
        %parallel_loop3A_225 = arith.mulf %parallel_loop3A_222, %parallel_loop3A_224 : vector<16xf32>
        %parallel_loop3A_226 = arith.addf %parallel_loop3A_219#4, %parallel_loop3A_219#5 : vector<16xf32>
        %parallel_loop3A_227 = arith.addf %parallel_loop3A_219#6, %parallel_loop3A_219#7 : vector<16xf32>
        %parallel_loop3A_228 = arith.addf %parallel_loop3A_226, %parallel_loop3A_227 : vector<16xf32>
        %parallel_loop3A_229 = arith.constant 1.562500e-02 : f32
        %parallel_loop3A_230 = vector.broadcast %parallel_loop3A_229 : f32 to vector<16xf32>
        %parallel_loop3A_231 = arith.mulf %parallel_loop3A_228, %parallel_loop3A_230 : vector<16xf32>
        %parallel_loop3A_232 = arith.mulf %parallel_loop3A_225, %parallel_loop3A_225 : vector<16xf32>
        %parallel_loop3A_233 = arith.subf %parallel_loop3A_231, %parallel_loop3A_232 : vector<16xf32>
        %parallel_loop3A_234 = arith.constant 9.99999974E-6 : f32
        %parallel_loop3A_235 = vector.broadcast %parallel_loop3A_234 : f32 to vector<16xf32>
        %parallel_loop3A_236 = arith.addf %parallel_loop3A_233, %parallel_loop3A_235 : vector<16xf32>
        %parallel_loop3A_237 = tpu.bitcast %parallel_loop3A_236 : vector<16xf32> -> vector<16xi32>
        %parallel_loop3A_238 = arith.constant 1 : i32
        %parallel_loop3A_239 = vector.broadcast %parallel_loop3A_238 : i32 to vector<16xi32>
        %parallel_loop3A_240 = arith.shrsi %parallel_loop3A_237, %parallel_loop3A_239 : vector<16xi32>
        %parallel_loop3A_241 = arith.constant 1597463007 : i32
        %parallel_loop3A_242 = vector.broadcast %parallel_loop3A_241 : i32 to vector<16xi32>
        %parallel_loop3A_243 = arith.subi %parallel_loop3A_242, %parallel_loop3A_240 : vector<16xi32>
        %parallel_loop3A_244 = tpu.bitcast %parallel_loop3A_243 : vector<16xi32> -> vector<16xf32>
        %parallel_loop3A_245 = arith.constant 5.000000e-01 : f32
        %parallel_loop3A_246 = vector.broadcast %parallel_loop3A_245 : f32 to vector<16xf32>
        %parallel_loop3A_247 = arith.mulf %parallel_loop3A_246, %parallel_loop3A_236 : vector<16xf32>
        %parallel_loop3A_248 = arith.mulf %parallel_loop3A_247, %parallel_loop3A_244 : vector<16xf32>
        %parallel_loop3A_249 = arith.mulf %parallel_loop3A_248, %parallel_loop3A_244 : vector<16xf32>
        %parallel_loop3A_250 = arith.constant 1.500000e+00 : f32
        %parallel_loop3A_251 = vector.broadcast %parallel_loop3A_250 : f32 to vector<16xf32>
        %parallel_loop3A_252 = arith.subf %parallel_loop3A_251, %parallel_loop3A_249 : vector<16xf32>
        %parallel_loop3A_253 = arith.mulf %parallel_loop3A_244, %parallel_loop3A_252 : vector<16xf32>
        %parallel_loop3A_254 = arith.constant 5.000000e-01 : f32
        %parallel_loop3A_255 = vector.broadcast %parallel_loop3A_254 : f32 to vector<16xf32>
        %parallel_loop3A_256 = arith.mulf %parallel_loop3A_255, %parallel_loop3A_236 : vector<16xf32>
        %parallel_loop3A_257 = arith.mulf %parallel_loop3A_256, %parallel_loop3A_253 : vector<16xf32>
        %parallel_loop3A_258 = arith.mulf %parallel_loop3A_257, %parallel_loop3A_253 : vector<16xf32>
        %parallel_loop3A_259 = arith.constant 1.500000e+00 : f32
        %parallel_loop3A_260 = vector.broadcast %parallel_loop3A_259 : f32 to vector<16xf32>
        %parallel_loop3A_261 = arith.subf %parallel_loop3A_260, %parallel_loop3A_258 : vector<16xf32>
        %parallel_loop3A_262 = arith.mulf %parallel_loop3A_253, %parallel_loop3A_261 : vector<16xf32>
        %parallel_loop3A_263 = arith.constant 0 : i32
        %parallel_loop3A_264 = arith.constant 64 : i32
        %parallel_loop3A_265 = arith.constant 1 : i32
        scf.for %parallel_loop3A_266 = %parallel_loop3A_263 to %parallel_loop3A_264 step %parallel_loop3A_265  : i32 {
          %parallel_loop3A_267 = arith.index_cast %rem3A_149 : i32 to index
          %parallel_loop3A_268 = arith.index_cast %parallel_loop3A_266 : i32 to index
          %parallel_loop3A_269 = arith.index_cast %parallel_loop3A_205 : i32 to index
          %parallel_loop3A_270 = tpu.vector_load %arg6[%parallel_loop3A_267, %parallel_loop3A_268, %parallel_loop3A_269] {strides = array<i32>} : memref<3x64x256xf32, #tpu.memory_space<vmem>>, vector<16xf32>,
          %parallel_loop3A_271 = vector.broadcast %parallel_loop3A_266 : i32 to vector<16xi32>
          %parallel_loop3A_272 = arith.addi %parallel_loop3A_213, %parallel_loop3A_271 : vector<16xi32>
          %parallel_loop3A_273 = tpu.vector_load_idx %arg9[%parallel_loop3A_272] : memref<520xi32, #tpu.memory_space<vmem>>[vector<16xi32>], vector<16xi32>,
          %parallel_loop3A_274 = arith.andi %parallel_loop3A_273, %broadcast_in_dim3A_3 : vector<16xi32>
          %parallel_loop3A_275 = tpu.bitcast %parallel_loop3A_274 : vector<16xi32> -> vector<16xf32>
          %parallel_loop3A_276 = arith.constant 16 : i32
          %parallel_loop3A_277 = vector.broadcast %parallel_loop3A_276 : i32 to vector<16xi32>
          %parallel_loop3A_278 = arith.shli %parallel_loop3A_273, %parallel_loop3A_277 : vector<16xi32>
          %parallel_loop3A_279 = tpu.bitcast %parallel_loop3A_278 : vector<16xi32> -> vector<16xf32>
          %parallel_loop3A_280 = arith.subf %parallel_loop3A_270, %parallel_loop3A_225 : vector<16xf32>
          %parallel_loop3A_281 = arith.mulf %parallel_loop3A_280, %parallel_loop3A_262 : vector<16xf32>
          %parallel_loop3A_282 = arith.mulf %parallel_loop3A_281, %parallel_loop3A_275 : vector<16xf32>
          %parallel_loop3A_283 = arith.addf %parallel_loop3A_282, %parallel_loop3A_279 : vector<16xf32>
          %parallel_loop3A_284 = arith.index_cast %rem3A_149 : i32 to index
          %parallel_loop3A_285 = arith.index_cast %parallel_loop3A_266 : i32 to index
          %parallel_loop3A_286 = arith.index_cast %parallel_loop3A_205 : i32 to index
          %parallel_loop3A_287 = tpu.vector_load %arg7[%parallel_loop3A_284, %parallel_loop3A_285, %parallel_loop3A_286] {strides = array<i32>} : memref<3x64x256xf32, #tpu.memory_space<vmem>>, vector<16xf32>,
          tpu.vector_store %arg7[%parallel_loop3A_284, %parallel_loop3A_285, %parallel_loop3A_286], %parallel_loop3A_283 {strides = array<i32>} : memref<3x64x256xf32, #tpu.memory_space<vmem>>, vector<16xf32>,
        } {sc.loop_unroll_factor = 16 : i64, sc.parallel_access}
      } {sc.loop_unroll_factor = 2 : i64, sc.parallel_access}
      %mul3A_180 = arith.constant 256 : i32
      %mul3A_181 = arith.muli %scan3A_148, %mul3A_180 : i32
      %add3A_182 = arith.addi %mul3A_2, %mul3A_181 : i32
      %dma_start3A_183 = arith.constant 0 : i32
      %dma_start3A_184 = arith.constant 0 : i32
      %dma_start3A_185 = tpu.memref_slice %arg7[%rem3A_149, %dma_start3A_183, %dma_start3A_184] : memref<3x64x256xf32, #tpu.memory_space<vmem>> -> memref<1x64x256xf32, #tpu.memory_space<vmem>>
      %dma_start3A_186 = tpu.memref_squeeze %dma_start3A_185 : memref<1x64x256xf32, #tpu.memory_space<vmem>> -> memref<64x256xf32, #tpu.memory_space<vmem>>
      %dma_start3A_187 = arith.constant 0 : i32
      %dma_start3A_188 = tpu.memref_slice %arg5[%dma_start3A_187, %add3A_182] : memref<64x1048576xf32, #tpu.memory_space<hbm>> -> memref<64x256xf32, #tpu.memory_space<hbm>>
      %dma_start3A_189 = tpu.memref_slice %arg12[%rem3A_149] : memref<3x!tpu.dma_semaphore, #tpu.memory_space<semaphore_mem>> -> memref<1x!tpu.dma_semaphore, #tpu.memory_space<semaphore_mem>>
      %dma_start3A_190 = tpu.memref_squeeze %dma_start3A_189 : memref<1x!tpu.dma_semaphore, #tpu.memory_space<semaphore_mem>> -> memref<!tpu.dma_semaphore, #tpu.memory_space<semaphore_mem>>
      %dma_start3A_191 = arith.constant 0 : i32
      %dma_start3A_192 = tpu.memref_slice %arg5[%dma_start3A_191, %add3A_182] : memref<64x1048576xf32, #tpu.memory_space<hbm>> -> memref<64x256xf32, #tpu.memory_space<hbm>>
      %dma_start3A_193 = arith.constant 0 : i32
      %dma_start3A_194 = arith.constant 0 : i32
      %dma_start3A_195 = tpu.memref_slice %arg7[%rem3A_149, %dma_start3A_193, %dma_start3A_194] : memref<3x64x256xf32, #tpu.memory_space<vmem>> -> memref<1x64x256xf32, #tpu.memory_space<vmem>>
      %dma_start3A_196 = tpu.memref_squeeze %dma_start3A_195 : memref<1x64x256xf32, #tpu.memory_space<vmem>> -> memref<64x256xf32, #tpu.memory_space<vmem>>
      tpu.enqueue_dma source(%dma_start3A_196 : memref<64x256xf32, #tpu.memory_space<vmem>>) target(%dma_start3A_192 : memref<64x256xf32, #tpu.memory_space<hbm>>) target_semaphore(%dma_start3A_190 : memref<!tpu.dma_semaphore, #tpu.memory_space<semaphore_mem>>)
      %add3A_197 = arith.constant 3 : i32
      %add3A_198 = arith.addi %scan3A_148, %add3A_197 : i32
      %lt3A = arith.constant 128 : i32
      %lt3A_199 = arith.cmpi slt, %add3A_198, %lt3A : i32
      %convert_element_type3A_200 = arith.extui %lt3A_199 : i1 to i32
      %cond3A_201 = arith.constant 0 : i32
      %cond3A_202 = arith.cmpi ne, %convert_element_type3A_200, %cond3A_201 : i32
      scf.if %cond3A_202 {
        %add3A_203 = arith.constant 3 : i32
        %add3A_204 = arith.addi %scan3A_148, %add3A_203 : i32
        %mul3A_205 = arith.constant 256 : i32
        %mul3A_206 = arith.muli %add3A_204, %mul3A_205 : i32
        %add3A_207 = arith.addi %mul3A_2, %mul3A_206 : i32
        %dma_start3A_208 = arith.constant 0 : i32
        %dma_start3A_209 = arith.constant 0 : i32
        %dma_start3A_210 = tpu.memref_slice %arg6[%rem3A_149, %dma_start3A_208, %dma_start3A_209] : memref<3x64x256xf32, #tpu.memory_space<vmem>> -> memref<1x64x256xf32, #tpu.memory_space<vmem>>
        %dma_start3A_211 = tpu.memref_squeeze %dma_start3A_210 : memref<1x64x256xf32, #tpu.memory_space<vmem>> -> memref<64x256xf32, #tpu.memory_space<vmem>>
        %dma_start3A_212 = arith.constant 0 : i32
        %dma_start3A_213 = tpu.memref_slice %arg2[%dma_start3A_212, %add3A_207] : memref<64x1048576xf32, #tpu.memory_space<hbm>> -> memref<64x256xf32, #tpu.memory_space<hbm>>
        %dma_start3A_214 = tpu.memref_slice %arg10[%rem3A_149] : memref<3x!tpu.dma_semaphore, #tpu.memory_space<semaphore_mem>> -> memref<1x!tpu.dma_semaphore, #tpu.memory_space<semaphore_mem>>
        %dma_start3A_215 = tpu.memref_squeeze %dma_start3A_214 : memref<1x!tpu.dma_semaphore, #tpu.memory_space<semaphore_mem>> -> memref<!tpu.dma_semaphore, #tpu.memory_space<semaphore_mem>>
        %dma_start3A_216 = arith.constant 0 : i32
        %dma_start3A_217 = arith.constant 0 : i32
        %dma_start3A_218 = tpu.memref_slice %arg6[%rem3A_149, %dma_start3A_216, %dma_start3A_217] : memref<3x64x256xf32, #tpu.memory_space<vmem>> -> memref<1x64x256xf32, #tpu.memory_space<vmem>>
        %dma_start3A_219 = tpu.memref_squeeze %dma_start3A_218 : memref<1x64x256xf32, #tpu.memory_space<vmem>> -> memref<64x256xf32, #tpu.memory_space<vmem>>
        %dma_start3A_220 = arith.constant 0 : i32
        %dma_start3A_221 = tpu.memref_slice %arg2[%dma_start3A_220, %add3A_207] : memref<64x1048576xf32, #tpu.memory_space<hbm>> -> memref<64x256xf32, #tpu.memory_space<hbm>>
        tpu.enqueue_dma source(%dma_start3A_221 : memref<64x256xf32, #tpu.memory_space<hbm>>) target(%dma_start3A_219 : memref<64x256xf32, #tpu.memory_space<vmem>>) target_semaphore(%dma_start3A_215 : memref<!tpu.dma_semaphore, #tpu.memory_space<semaphore_mem>>)
        %mul3A_222 = arith.constant 256 : i32
        %mul3A_223 = arith.muli %add3A_204, %mul3A_222 : i32
        %add3A_224 = arith.addi %mul3A_2, %mul3A_223 : i32
        %mul3A_225 = arith.constant 256 : i32
        %mul3A_226 = arith.muli %rem3A_149, %mul3A_225 : i32
        %dma_start3A_227 = tpu.memref_slice %arg8[%mul3A_226] : memref<768xi32, #tpu.memory_space<vmem>> -> memref<256xi32, #tpu.memory_space<vmem>>
        %dma_start3A_228 = tpu.memref_slice %arg3[%add3A_224] : memref<1048576xi32, #tpu.memory_space<hbm>> -> memref<256xi32, #tpu.memory_space<hbm>>
        %dma_start3A_229 = tpu.memref_slice %arg11[%rem3A_149] : memref<3x!tpu.dma_semaphore, #tpu.memory_space<semaphore_mem>> -> memref<1x!tpu.dma_semaphore, #tpu.memory_space<semaphore_mem>>
        %dma_start3A_230 = tpu.memref_squeeze %dma_start3A_229 : memref<1x!tpu.dma_semaphore, #tpu.memory_space<semaphore_mem>> -> memref<!tpu.dma_semaphore, #tpu.memory_space<semaphore_mem>>
        %dma_start3A_231 = tpu.memref_slice %arg8[%mul3A_226] : memref<768xi32, #tpu.memory_space<vmem>> -> memref<256xi32, #tpu.memory_space<vmem>>
        %dma_start3A_232 = tpu.memref_slice %arg3[%add3A_224] : memref<1048576xi32, #tpu.memory_space<hbm>> -> memref<256xi32, #tpu.memory_space<hbm>>
        tpu.enqueue_dma source(%dma_start3A_232 : memref<256xi32, #tpu.memory_space<hbm>>) target(%dma_start3A_231 : memref<256xi32, #tpu.memory_space<vmem>>) target_semaphore(%dma_start3A_230 : memref<!tpu.dma_semaphore, #tpu.memory_space<semaphore_mem>>)
      } else {
      }
    }
    %scan3A_94 = arith.constant 128 : i32
    %dma_wait3A = arith.constant 0 : i32
    %dma_wait3A_95 = arith.constant 0 : i32
    %dma_wait3A_96 = arith.constant 0 : i32
    %dma_wait3A_97 = arith.constant 0 : i32
    %dma_wait3A_98 = tpu.memref_slice %arg7[%dma_wait3A, %dma_wait3A_96, %dma_wait3A_97] : memref<3x64x256xf32, #tpu.memory_space<vmem>> -> memref<1x64x256xf32, #tpu.memory_space<vmem>>
    %dma_wait3A_99 = tpu.memref_squeeze %dma_wait3A_98 : memref<1x64x256xf32, #tpu.memory_space<vmem>> -> memref<64x256xf32, #tpu.memory_space<vmem>>
    %dma_wait3A_100 = arith.constant 0 : i32
    %dma_wait3A_101 = arith.constant 0 : i32
    %dma_wait3A_102 = tpu.memref_slice %arg5[%dma_wait3A_100, %dma_wait3A_101] : memref<64x1048576xf32, #tpu.memory_space<hbm>> -> memref<64x256xf32, #tpu.memory_space<hbm>>
    %dma_wait3A_103 = tpu.memref_slice %arg12[%dma_wait3A_95] : memref<3x!tpu.dma_semaphore, #tpu.memory_space<semaphore_mem>> -> memref<1x!tpu.dma_semaphore, #tpu.memory_space<semaphore_mem>>
    %dma_wait3A_104 = tpu.memref_squeeze %dma_wait3A_103 : memref<1x!tpu.dma_semaphore, #tpu.memory_space<semaphore_mem>> -> memref<!tpu.dma_semaphore, #tpu.memory_space<semaphore_mem>>
    %dma_wait3A_105 = arith.constant 0 : i32
    %dma_wait3A_106 = arith.constant 0 : i32
    %dma_wait3A_107 = tpu.memref_slice %arg5[%dma_wait3A_105, %dma_wait3A_106] : memref<64x1048576xf32, #tpu.memory_space<hbm>> -> memref<64x256xf32, #tpu.memory_space<hbm>>
    %dma_wait3A_108 = arith.constant 0 : i32
    %dma_wait3A_109 = arith.constant 0 : i32
    %dma_wait3A_110 = tpu.memref_slice %arg7[%dma_wait3A, %dma_wait3A_108, %dma_wait3A_109] : memref<3x64x256xf32, #tpu.memory_space<vmem>> -> memref<1x64x256xf32, #tpu.memory_space<vmem>>
    %dma_wait3A_111 = tpu.memref_squeeze %dma_wait3A_110 : memref<1x64x256xf32, #tpu.memory_space<vmem>> -> memref<64x256xf32, #tpu.memory_space<vmem>>
    tpu.wait_dma2 semaphore(%dma_wait3A_104 : memref<!tpu.dma_semaphore, #tpu.memory_space<semaphore_mem>>) src(%dma_wait3A_111 : memref<64x256xf32, #tpu.memory_space<vmem>>) dst(%dma_wait3A_107 : memref<64x256xf32, #tpu.memory_space<hbm>>)
    %dma_wait3A_112 = arith.constant 1 : i32
    %dma_wait3A_113 = arith.constant 1 : i32
    %dma_wait3A_114 = arith.constant 0 : i32
    %dma_wait3A_115 = arith.constant 0 : i32
    %dma_wait3A_116 = tpu.memref_slice %arg7[%dma_wait3A_112, %dma_wait3A_114, %dma_wait3A_115] : memref<3x64x256xf32, #tpu.memory_space<vmem>> -> memref<1x64x256xf32, #tpu.memory_space<vmem>>
    %dma_wait3A_117 = tpu.memref_squeeze %dma_wait3A_116 : memref<1x64x256xf32, #tpu.memory_space<vmem>> -> memref<64x256xf32, #tpu.memory_space<vmem>>
    %dma_wait3A_118 = arith.constant 0 : i32
    %dma_wait3A_119 = arith.constant 0 : i32
    %dma_wait3A_120 = tpu.memref_slice %arg5[%dma_wait3A_118, %dma_wait3A_119] : memref<64x1048576xf32, #tpu.memory_space<hbm>> -> memref<64x256xf32, #tpu.memory_space<hbm>>
    %dma_wait3A_121 = tpu.memref_slice %arg12[%dma_wait3A_113] : memref<3x!tpu.dma_semaphore, #tpu.memory_space<semaphore_mem>> -> memref<1x!tpu.dma_semaphore, #tpu.memory_space<semaphore_mem>>
    %dma_wait3A_122 = tpu.memref_squeeze %dma_wait3A_121 : memref<1x!tpu.dma_semaphore, #tpu.memory_space<semaphore_mem>> -> memref<!tpu.dma_semaphore, #tpu.memory_space<semaphore_mem>>
    %dma_wait3A_123 = arith.constant 0 : i32
    %dma_wait3A_124 = arith.constant 0 : i32
    %dma_wait3A_125 = tpu.memref_slice %arg5[%dma_wait3A_123, %dma_wait3A_124] : memref<64x1048576xf32, #tpu.memory_space<hbm>> -> memref<64x256xf32, #tpu.memory_space<hbm>>
    %dma_wait3A_126 = arith.constant 0 : i32
    %dma_wait3A_127 = arith.constant 0 : i32
    %dma_wait3A_128 = tpu.memref_slice %arg7[%dma_wait3A_112, %dma_wait3A_126, %dma_wait3A_127] : memref<3x64x256xf32, #tpu.memory_space<vmem>> -> memref<1x64x256xf32, #tpu.memory_space<vmem>>
    %dma_wait3A_129 = tpu.memref_squeeze %dma_wait3A_128 : memref<1x64x256xf32, #tpu.memory_space<vmem>> -> memref<64x256xf32, #tpu.memory_space<vmem>>
    tpu.wait_dma2 semaphore(%dma_wait3A_122 : memref<!tpu.dma_semaphore, #tpu.memory_space<semaphore_mem>>) src(%dma_wait3A_129 : memref<64x256xf32, #tpu.memory_space<vmem>>) dst(%dma_wait3A_125 : memref<64x256xf32, #tpu.memory_space<hbm>>)
    %dma_wait3A_130 = arith.constant 2 : i32
    %dma_wait3A_131 = arith.constant 2 : i32
    %dma_wait3A_132 = arith.constant 0 : i32
    %dma_wait3A_133 = arith.constant 0 : i32
    %dma_wait3A_134 = tpu.memref_slice %arg7[%dma_wait3A_130, %dma_wait3A_132, %dma_wait3A_133] : memref<3x64x256xf32, #tpu.memory_space<vmem>> -> memref<1x64x256xf32, #tpu.memory_space<vmem>>
    %dma_wait3A_135 = tpu.memref_squeeze %dma_wait3A_134 : memref<1x64x256xf32, #tpu.memory_space<vmem>> -> memref<64x256xf32, #tpu.memory_space<vmem>>
    %dma_wait3A_136 = arith.constant 0 : i32
    %dma_wait3A_137 = arith.constant 0 : i32
    %dma_wait3A_138 = tpu.memref_slice %arg5[%dma_wait3A_136, %dma_wait3A_137] : memref<64x1048576xf32, #tpu.memory_space<hbm>> -> memref<64x256xf32, #tpu.memory_space<hbm>>
    %dma_wait3A_139 = tpu.memref_slice %arg12[%dma_wait3A_131] : memref<3x!tpu.dma_semaphore, #tpu.memory_space<semaphore_mem>> -> memref<1x!tpu.dma_semaphore, #tpu.memory_space<semaphore_mem>>
    %dma_wait3A_140 = tpu.memref_squeeze %dma_wait3A_139 : memref<1x!tpu.dma_semaphore, #tpu.memory_space<semaphore_mem>> -> memref<!tpu.dma_semaphore, #tpu.memory_space<semaphore_mem>>
    %dma_wait3A_141 = arith.constant 0 : i32
    %dma_wait3A_142 = arith.constant 0 : i32
    %dma_wait3A_143 = tpu.memref_slice %arg5[%dma_wait3A_141, %dma_wait3A_142] : memref<64x1048576xf32, #tpu.memory_space<hbm>> -> memref<64x256xf32, #tpu.memory_space<hbm>>
    %dma_wait3A_144 = arith.constant 0 : i32
    %dma_wait3A_145 = arith.constant 0 : i32
    %dma_wait3A_146 = tpu.memref_slice %arg7[%dma_wait3A_130, %dma_wait3A_144, %dma_wait3A_145] : memref<3x64x256xf32, #tpu.memory_space<vmem>> -> memref<1x64x256xf32, #tpu.memory_space<vmem>>
    %dma_wait3A_147 = tpu.memref_squeeze %dma_wait3A_146 : memref<1x64x256xf32, #tpu.memory_space<vmem>> -> memref<64x256xf32, #tpu.memory_space<vmem>>
    tpu.wait_dma2 semaphore(%dma_wait3A_140 : memref<!tpu.dma_semaphore, #tpu.memory_space<semaphore_mem>>) src(%dma_wait3A_147 : memref<64x256xf32, #tpu.memory_space<vmem>>) dst(%dma_wait3A_143 : memref<64x256xf32, #tpu.memory_space<hbm>>)
    return
  }
}

</mosaic_0001>

<sc_bundles>
// kernel: kernel.3.cloned.1.call-start
scs
__scs_entry_jumppad:
0x0: {  	(pc) =	sbr.rel $0x88, $3  }
0x1: {  	(tag) =	ssettag $0x0;
	lr =	simm.s32 $0x1  }
0x2: {  	[smem:$0x3F9D] =	sst lr;
	_ =	strace $0xD0000000  }
0x3: {  	_ = 	snop  }
0x4: {  	_ = 	snop  }
0x5: {  	_ = 	snop  }
0x6: {  	_ = 	snop  }
0x7: {  	_ = 	snop  }
__scs_overlays_trampoline_lowered:
0x8: {  	[smem:$0x3FAC] =	sst s0  }
0x9: {  	[smem:$0x3FAD] =	sst s1  }
0xa: {  	[smem:$0x3FAE] =	sst s2  }
0xb: {  	[smem:$0x3FAF] =	sst s3  }
0xc: {  	[smem:$0x3FB0] =	sst s4  }
0xd: {  	[smem:$0x3FB1] =	sst s5  }
0xe: {  	[smem:$0x3FB2] =	sst s6  }
0xf: {  	[smem:$0x3FB3] =	sst s7  }
0x10: {  	[smem:$0x3FB4] =	sst s8  }
0x11: {  	[smem:$0x3FB5] =	sst s9;
	s0 =	simm.s32 @!p0 $0x0  }
0x12: {  	s1 =	sld [smem:$0x3F9B];
	s0 =	simm.s32 @p0 $0x1  }
0x13: {  	[smem:$0x3FB6] =	sst s0;
	s0 =	simm.s32 @!p1 $0x0  }
0x14: {  	s2 =	sld [smem:$0x3F9A];
	s0 =	simm.s32 @p1 $0x1  }
0x15: {  	[smem:$0x3FB7] =	sst s0;
	s0 =	simm.s32 @!p2 $0x0  }
0x16: {  	s3 =	sld [smem:$0x3FDB];
	s0 =	simm.s32 @p2 $0x1  }
0x17: {  	s4 =	simm.s32 $0x1BF5;
	[smem:$0x3FB9] =	sst s0  }
0x18: {  	s0 =	sld [smem:$0x3F9C];
	_ =	swait.ge [sflag:s4], $0x0  }
0x19: {  	s7 =	sld [smem:$0x3F9D]  }
0x1a: {  	s8 =	sadd.s32 $0xFFFFE003, lr  }
0x1b: {  	s9 =	sadd.s32 $0xFFFFFEF7, lr;
	s5 =	simm.s32 $0xFFFFFFFF;
	p2 =	slt.u32 s8, $0xFFFFF086  }
0x1c: {  	p1 =	slt.u32 s9, $0xF7A;
	s5 =	simm.s32 @!p2 $0x0  }
0x1d: {  	s5 =	simm.s32 @p1 $0x1;
	p0 =	seq.s32 s7, s2  }
0x1e: {  	s7 =	smul.u32 @!p0 $0xF7A, s2;
	p2 =	seq.s32 @!p0 s5, $0x0  }
0x1f: {  	s9 =	smul.u32 $0xF7A, s1;
	s8 =	simm.s32 @!p0 $0x1BF5;
	p2 =	por !p2, p0  }
0x20: {  	[sflag:s8] =	ssyncset.s32 @!p0 $0xFFFFF086;
	s6 =	sadd.s32 @!p0 s3, s7;
	s7 =	simm.s32 @!p0 $0x108  }
0x21: {  	s3 =	sadd.s32 s3, s9;
	s6 =	sadd.s32 @!p0 $0x88, s6;
	s7 =	simm.s32 @p2 $0x1082  }
0x22: {  	[simem:s7], [sflag:s8] =	dma.local @!p0 [hbm:s6], $0xF7A  }
0x23: {  	s9 =	sor.u32 $0xD0000000, s2;
	s6 =	simm.s32 $0x108;
	_ =	swait.ge @!p0 [sflag:s8], $0x0  }
0x24: {  	s3 =	sadd.s32 $0x88, s3;
	s6 =	simm.s32 @!p1 $0x1082;
	[sflag:s4] =	ssyncset.s32 $0xFFFFF086  }
0x25: {  	[simem:s6], [sflag:s4] =	dma.local [hbm:s3], $0xF7A  }
0x26: {  	[smem:$0x3F9D] =	sst s1;
	(tag) =	ssettag s2;
	_ =	strace s9  }
0x27: {  	s1 =	sld [smem:$0x3FAD]  }
0x28: {  	s2 =	sld [smem:$0x3FAE]  }
0x29: {  	s4 =	sld [smem:$0x3FB0]  }
0x2a: {  	p0 =	seq.s32 s5, $0x0;
	s5 =	sld [smem:$0x3FB1]  }
0x2b: {  	s6 =	sld [smem:$0x3FB2]  }
0x2c: {  	s7 =	sld [smem:$0x3FB3]  }
0x2d: {  	s3 =	simm.s32 $0x108;
	s8 =	sld [smem:$0x3FB4]  }
0x2e: {  	s3 =	simm.s32 @!p0 $0x1082;
	s9 =	sld [smem:$0x3FB5]  }
0x2f: {  	lr =	sadd.s32 s0, s3;
	s0 =	sld [smem:$0x3FAC]  }
0x30: {  	s3 =	sld [smem:$0x3FAF]  }
0x31: {  	[smem:$0x3FB8] =	sst s10  }
0x32: {  	s10 =	sld [smem:$0x3FB6];
	_ =	sdelay $0x3  }
0x33: {  	p0 =	seq.s32 s10, $0x1;
	s10 =	sld [smem:$0x3FB8];
	_ =	sdelay $0x3  }
0x34: {  	[smem:$0x3FB8] =	sst s10  }
0x35: {  	s10 =	sld [smem:$0x3FB7];
	_ =	sdelay $0x3  }
0x36: {  	p1 =	seq.s32 s10, $0x1;
	s10 =	sld [smem:$0x3FB8];
	_ =	sdelay $0x3  }
0x37: {  	[smem:$0x3FB8] =	sst s10  }
0x38: {  	s10 =	sld [smem:$0x3FB9]  }
0x39: {  	_ = 	snop;
	(pc) =	sbr.ind lr, $3  }
0x3a: {  	_ = 	snop  }
0x3b: {  	_ = 	snop  }
0x3c: {  	p2 =	seq.s32 s10, $0x1;
	s10 =	sld [smem:$0x3FB8]  }
0x3d: {  	_ =	shalt  }
0x3e: {  	_ =	shalt  }
0x3f: {  	_ =	shalt  }
0x40: {  	_ =	shalt  }
0x41: {  	_ =	shalt  }
0x42: {  	_ =	shalt  }
0x43: {  	_ =	shalt  }
0x44: {  	_ =	shalt  }
0x45: {  	_ =	shalt  }
0x46: {  	_ =	shalt  }
0x47: {  	_ =	shalt  }
0x48: {  	_ =	shalt  }
0x49: {  	_ =	shalt  }
0x4a: {  	_ =	shalt  }
0x4b: {  	_ =	shalt  }
0x4c: {  	_ =	shalt  }
0x4d: {  	_ =	shalt  }
0x4e: {  	_ =	shalt  }
0x4f: {  	_ =	shalt  }
0x50: {  	_ =	shalt  }
0x51: {  	_ =	shalt  }
0x52: {  	_ =	shalt  }
0x53: {  	_ =	shalt  }
0x54: {  	_ =	shalt  }
0x55: {  	_ =	shalt  }
0x56: {  	_ =	shalt  }
0x57: {  	_ =	shalt  }
0x58: {  	_ =	shalt  }
0x59: {  	_ =	shalt  }
0x5a: {  	_ =	shalt  }
0x5b: {  	_ =	shalt  }
0x5c: {  	_ =	shalt  }
0x5d: {  	_ =	shalt  }
0x5e: {  	_ =	shalt  }
0x5f: {  	_ =	shalt  }
0x60: {  	_ =	shalt  }
0x61: {  	_ =	shalt  }
0x62: {  	_ =	shalt  }
0x63: {  	_ =	shalt  }
0x64: {  	_ =	shalt  }
0x65: {  	_ =	shalt  }
0x66: {  	_ =	shalt  }
0x67: {  	_ =	shalt  }
0x68: {  	_ =	shalt  }
0x69: {  	_ =	shalt  }
0x6a: {  	_ =	shalt  }
0x6b: {  	_ =	shalt  }
0x6c: {  	_ =	shalt  }
0x6d: {  	_ =	shalt  }
0x6e: {  	_ =	shalt  }
0x6f: {  	_ =	shalt  }
0x70: {  	_ =	shalt  }
0x71: {  	_ =	shalt  }
0x72: {  	_ =	shalt  }
0x73: {  	_ =	shalt  }
0x74: {  	_ =	shalt  }
0x75: {  	_ =	shalt  }
0x76: {  	_ =	shalt  }
0x77: {  	_ =	shalt  }
0x78: {  	_ =	shalt  }
0x79: {  	_ =	shalt  }
0x7a: {  	_ =	shalt  }
0x7b: {  	_ =	shalt  }
0x7c: {  	_ =	shalt  }
0x7d: {  	_ =	shalt  }
0x7e: {  	_ =	shalt  }
0x7f: {  	_ =	shalt  }
0x80: {  	_ =	shalt  }
0x81: {  	_ =	shalt  }
0x82: {  	_ =	shalt  }
0x83: {  	_ =	shalt  }
0x84: {  	_ =	shalt  }
0x85: {  	_ =	shalt  }
0x86: {  	_ =	shalt  }
0x87: {  	_ =	shalt  }
.Lfunc_end0:
.L_simem_size_0:
called_computation_lowered:
.L_overlay_start_0:
0x88: {  	s2 =	sld [smem:$0x3FD9]  }
0x89: {  	s3 =	sld [smem:$0x3FFE];
	_ =	sdelay $0x1  }
0x8a: {  	s1 =	srdreg.scid  }
0x8b: {  	s0 =	sand.u32 $0x1, s1  }
0x8c: {  	s17 =	sshll.u32 s0, $0xA;
	s2 =	sadd.s32 s3, s2  }
0x8d: {  	s2 =	sadd.s32 s2, s17  }
0x8e: {  	[smem:$0x3FC4] =	sst s2  }
0x8f: {  	_ = 	snop  }
0x90: {  	s2 =	sld [smem:$0x3FC9]  }
0x91: {  	s18 =	sld [smem:$0x3FC8]  }
0x92: {  	s4 =	sld [smem:$0x3FD0];
	(tm) =	ssettm $0x1  }
0x93: {  	s5 =	sld [smem:$0x3FFB];
	_ =	sdelay $0x3  }
0x94: {  	_ =	strace s5  }
0x95: {  	s5 =	sld [smem:$0x3FFC];
	_ =	sdelay $0x3  }
0x96: {  	_ =	strace s5  }
0x97: {  	s5 =	sld [smem:$0x3FFD];
	_ =	sdelay $0x3  }
0x98: {  	_ =	strace s5  }
0x99: {  	_ =	strace $0x8FFFFFFF  }
0x9a: {  	s19 =	sld [smem:$0x3FDB];
	_ =	sdelay $0x1  }
0x9b: {  	s6 =	simm.s32 $_scs_section_size  }
0x9c: {  	s7 =	simm.s32 $_size__tile_overlayer_lowered;
	s8 =	simm.s32 $_tile_overlayer_lowered  }
0x9d: {  	s22 =	simm.s32 $0x1BFF;
	s21 =	sshll.u32 s8, $0x1;
	s5 =	sadd.s32 s6, s19  }
0x9e: {  	s9 =	simm.s32 $0x0;
	s20 =	sshll.u32 s7, $0x1;
	s7 =	sadd.s32 s21, s5  }
0x9f: {  	[timem:s9], [sflag:s22] =	dma.local [hbm:s7], s20  }
0xa0: {  	_ =	swait.ge [sflag:s22], s20  }
0xa1: {  	s6 =	ssub.s32 $0x0, s20;
	[sflag:s22] =	ssyncset.done $0x0  }
0xa2: {  	[sflag:s22] =	ssyncadd.s32 s6;
	_ =	sdelay $0x1  }
0xa3: {  	s23 =	simm.s32 $0x1B8B  }
0xa4: {  	_ =	swait.ge [sflag:s23], $0x1  }
0xa5: {  	[sflag:s23] =	ssyncset.done $0x0  }
0xa6: {  	s25 =	simm.s32 $0x1B8E;
	s24 =	sld [smem:$0x3FFE];
	[sflag:s23] =	ssyncadd.s32 $0xFFFFFFFF  }
0xa7: {  	s26 =	simm.s32 $execute0_lowered;
	[smem:$0x3FD2] =	sst s25  }
0xa8: {  	s7 =	sshll.u32 s26, $0x1;
	_ =	strace $0x80000046;
	[dreg:$0x1] =	wrdreg $0xFFFFFFFF  }
0xa9: {  	s28 =	simm.s32 $_size_execute0_lowered;
	s5 =	sadd.s32 s5, s7;
	[dreg:$0x0] =	wrdreg $0x0  }
0xaa: {  	s7 =	sshll.u32 s28, $0x1;
	[dreg:$0x2] =	wrdreg s5  }
0xab: {  	[dreg:$0x3] =	wrdreg s7  }
0xac: {  	[dreg:$0x4] =	wrdreg $0xC0  }
0xad: {  	_ =	task [dreg:s9], $0x5FFFF  }
0xae: {  	[dreg:$0x1] =	wrdreg $0xFFFFFFFF  }
0xaf: {  	[dreg:$0x0] =	wrdreg $0x60  }
0xb0: {  	[dreg:$0x2] =	wrdreg s2  }
0xb1: {  	[dreg:$0x3] =	wrdreg s18  }
0xb2: {  	[dreg:$0x4] =	wrdreg s24  }
0xb3: {  	[dreg:$0x5] =	wrdreg s4  }
0xb4: {  	[dreg:$0x6] =	wrdreg $0x9  }
0xb5: {  	_ =	task.clear_ibuf [dreg:s9], $0x7FFFF;
	_ =	strace $0x90000046  }
0xb6: {  	s29 =	simm.s32 $0x9;
	_ =	strace $0x80000048  }
0xb7: {  	_ =	swait.ge [sflag:s29], $0x1  }
0xb8: {  	[sflag:s29] =	ssyncadd.s32 $0xFFFFFFFF  }
0xb9: {  	_ =	strace $0x90000048  }
0xba: {  	_ =	sfence  }
0xbb: {  	s30 =	sld [smem:$0x0];
	_ =	sdelay $0x2  }
0xbc: {  	s31 =	sshll.u32 s1, $0xD;
	s1 =	sshrl.u32 s1, $0x2  }
0xbd: {  	s3 =	sand.u32 $0x4000, s31;
	s1 =	sadd.s32 s1, s30  }
0xbe: {  	s0 =	sor.u32 s3, s0;
	s1 =	sshll.u32 s1, $0x11  }
0xbf: {  	s0 =	sor.u32 s1, s0  }
0xc0: {  	s0 =	sadd.s32 $0x8F2B, s0  }
0xc1: {  	[sflag:s0] =	ssyncadd.remote.s32 $0x1  }
0xc2: {  	_ =	sfence.sel $0xFFFF  }
0xc3: {  	[dreg:$0x0] =	wrdreg $0xFFFFFFFF;
	(pc) =	sbr.abs _section_cstart, $3  }
0xc4: {  	[dreg:$0x1] =	wrdreg $0xFFFFFFFF  }
0xc5: {  	_ =	task.clear_ibuf [dreg:s9], $0x2FFFF;
	_ =	strace $0x9FFFFFFF  }
0xc6: {  	(tm) =	ssettm $0x7FFFFFFF  }
0xc7: {  	_ =	shalt  }
tec
execute0_lowered:
.L_overlay_start_1:
0x0: {  	(tag) =	ssettag $0x1  }
0x1: {  	s6 =	rddreg [dreg:$0x0]  }
0x2: {  	s7 =	rddreg [dreg:$0x1]  }
0x3: {  	s0 =	rddreg [dreg:$0x2]  }
0x4: {  	s1 =	rddreg [dreg:$0x3];
	s2 =	srdreg.scid;
	s4 =	simm.s32 $0x0  }
0x5: {  	s3 =	stileid.u32;
	s2 =	sand.u32 $0x1, s2;
	[smem:$0x7FF] =	sst s4  }
0x6: {  	s3 =	sshll.u32 s3, $0x10;
	s0 =	sadd.s32 $0x400, s0;
	s23 =	sshll.u32 s2, $0xF  }
0x7: {  	_ =	strace $0x80000047;
	s2 =	ssub.s32 $0x2, s2;
	s3 =	sor.u32 s23, s3  }
0x8: {  	[dreg:$0x12] =	wrdreg s0;
	s24 =	sshrl.u32 s2, $0x1;
	s4 =	sshrl.u32 s3, $0x7  }
0x9: {  	s0 =	ssub.s32 s2, s24;
	s25 =	sshrl.u32 s3, $0x3;
	s8 =	sadd.s32 s6, s3  }
0xa: {  	s1 =	sadd.s32 s1, s3;
	s31 =	sor.u32 $0x300, s3;
	[dreg:$0x13] =	wrdreg s8  }
0xb: {  	s5 =	sor.u32 $0x2, s4;
	s2 =	sadd.s32 s7, s25;
	[dreg:$0x19] =	wrdreg s1  }
0xc: {  	s4 =	sor.u32 $0x4, s4;
	[dreg:$0x1a] =	wrdreg s31;
	s0 =	smax.u32 s0, $0x1  }
0xd: {  	[dreg:$0x14] =	wrdreg s2;
	s26 =	sshll.u32 s5, $0x7;
	s29 =	sshll.u32 s4, $0x7  }
0xe: {  	s4 =	sshll.u32 s4, $0x4;
	[dreg:$0x1b] =	wrdreg s0;
	s2 =	sadd.s32 s6, s26  }
0xf: {  	s28 =	sshll.u32 s5, $0x4;
	s30 =	sadd.s32 s7, s4;
	[dreg:$0x15] =	wrdreg s2  }
0x10: {  	s2 =	sadd.s32 s7, s28;
	[dreg:$0x18] =	wrdreg s30  }
0x11: {  	[dreg:$0x16] =	wrdreg s2;
	s2 =	sadd.s32 s6, s29  }
0x12: {  	s15 =	simm.s32 $0x18300;
	[dreg:$0x17] =	wrdreg s2;
	s2 =	simm.s32 $0x0  }
.LBB2_1:
0x13: {  	[dreg:$0x1c] =	wrdreg s2  }
0x14: {  	s0 =	simm.s32 $0x0;
	s1 =	rddreg [dreg:$0x12];
	s19 =	simm.s32 $0xA  }
0x15: {  	[tilespmem:s15], [sflag:$0xA] =	stream.linear.gather [hbm4b:s1+s0], $0x280, $0x38;
	[tilespmem:$0x18580] =	vst v63  }
0x16: {  	s21 =	simm.s32 $0x800000;
	_ =	swait.ge [sflag:s19], $0x280  }
0x17: {  	s4 =	simm.s32 $0x800;
	s3 =	simm.s32 $0x18000;
	[sflag:s19] =	ssyncset.done $0x0  }
0x18: {  	s24 =	simm.s32 $0x4000;
	s20 =	rddreg [dreg:$0x13];
	[sflag:s19] =	ssyncadd.s32 $0xFFFFFD80  }
0x19: {  	[tilespmem:s0], [sflag:$0x1] =	stream.strided.gather [hbm4b:s20+s4], $0x4000, s21, s4, $0x38;
	[tilespmem:$0x18580] =	vst v63  }
0x1a: {  	s26 =	simm.s32 $0x18100;
	s29 =	simm.s32 $0x8000;
	s22 =	rddreg [dreg:$0x14]  }
0x1b: {  	[tilespmem:s3], [sflag:$0x4] =	stream.linear.gather [hbm4b:s22+s0], $0x100, $0x38;
	[tilespmem:$0x18580] =	vst v63  }
0x1c: {  	s31 =	simm.s32 $0x18200;
	s5 =	simm.s32 $0x10;
	s23 =	rddreg [dreg:$0x15]  }
0x1d: {  	[tilespmem:s24], [sflag:$0x2] =	stream.strided.gather [hbm4b:s23+s4], $0x4000, s21, s4, $0x38;
	[tilespmem:$0x18580] =	vst v63  }
0x1e: {  	s6 =	simm.s32 $0x810;
	s7 =	simm.s32 $0x800;
	s25 =	rddreg [dreg:$0x16]  }
0x1f: {  	[tilespmem:s26], [sflag:$0x5] =	stream.linear.gather [hbm4b:s25+s0], $0x100, $0x38;
	[tilespmem:$0x18580] =	vst v63  }
0x20: {  	s8 =	simm.s32 $0x0;
	s9 =	simm.s32 $0x0;
	s28 =	rddreg [dreg:$0x17]  }
0x21: {  	[tilespmem:s29], [sflag:$0x3] =	stream.strided.gather [hbm4b:s28+s4], $0x4000, s21, s4, $0x38;
	[tilespmem:$0x18580] =	vst v63  }
0x22: {  	s30 =	rddreg [dreg:$0x18];
	s3 =	simm.s32 $0xB80;
	s4 =	simm.s32 $0xB90  }
0x23: {  	[tilespmem:s31], [sflag:$0x6] =	stream.linear.gather [hbm4b:s30+s0], $0x100, $0x38;
	[tilespmem:$0x18580] =	vst v63  }
.LBB2_2:
0x24: {  	s0 =	smul.u32 $0xAB, s9;
	_ =	sdelay $0x1  }
0x25: {  	s0 =	sshrl.u32 s0, $0x9  }
0x26: {  	s0 =	sand.u32 $0x7F, s0  }
0x27: {  	s0 =	smul.u32 $0x3, s0;
	_ =	sdelay $0x1  }
0x28: {  	s0 =	ssub.s32 s9, s0  }
0x29: {  	s10 =	sand.u32 $0xFF, s0  }
0x2a: {  	s1 =	sadd.s32 $0x1, s10  }
0x2b: {  	_ =	swait.ge [sflag:s1], $0x4000  }
0x2c: {  	s24 =	smulhi.u32 $0xAAAAAAAB, s9;
	[sflag:s1] =	ssyncset.done $0x0  }
0x2d: {  	s2 =	sor.u32 $0x4, s10;
	[smem:$0x7F1] =	sst s1;
	[sflag:s1] =	ssyncadd.s32 $0xFFFFC000  }
0x2e: {  	p0 =	slt.u32 s9, $0x3;
	_ =	swait.ge [sflag:s2], $0x100;
	[dreg:$0x1f] =	wrdreg s5  }
0x2f: {  	s0 =	sshrl.u32 s24, $0x1;
	[sflag:s2] =	ssyncset.done $0x0;
	[smem:$0x7F2] =	sst s9  }
0x30: {  	[smem:$0x7F3] =	sst s2;
	[sflag:s2] =	ssyncadd.s32 $0xFFFFFF00;
	s2 =	sadd.s32 @!p0 $0x7, s10  }
0x31: {  	s25 =	smul.u32 $0xC000, s0;
	_ =	swait.ge @!p0 [sflag:s2], $0x4000;
	[dreg:$0x1d] =	wrdreg s3  }
0x32: {  	s0 =	smul.u32 $0xFFFD0000, s0;
	[dreg:$0x1e] =	wrdreg s4  }
0x33: {  	s26 =	sshll.u32 s10, $0xE;
	[smem:$0x7F4] =	sst s8  }
0x34: {  	s0 =	sshra.s32 s0, $0x2;
	[smem:$0x7F5] =	sst s26  }
0x35: {  	s29 =	sadd.s32 s0, s3;
	[smem:$0x7F6] =	sst s10  }
0x36: {  	[smem:$0x7F8] =	sst s29  }
0x37: {  	s30 =	ssub.s32 s7, s25;
	[smem:$0x7F9] =	sst s7  }
0x38: {  	s12 =	simm.s32 $0x0;
	s0 =	sadd.s32 s0, s4;
	[smem:$0x7FA] =	sst s30  }
0x39: {  	s28 =	sshll.u32 s10, $0x8;
	s11 =	ssub.s32 s8, s25;
	[smem:$0x7FB] =	sst s0  }
0x3a: {  	s31 =	ssub.s32 s6, s25;
	s9 =	ssub.s32 s5, s25;
	[smem:$0x7FC] =	sst s6  }
0x3b: {  	s3 =	simm.s32 $0x0;
	[sflag:s2] =	ssyncset.done @!p0 $0x0;
	[smem:$0x7FD] =	sst s31  }
0x3c: {  	s10 =	simm.s32 $0x0;
	[sflag:s2] =	ssyncadd.s32 @!p0 $0xFFFFC000;
	s2 =	sadd.s32 $0x18000, s28  }
0x3d: {  	s8 =	smov.u32 s11;
	[smem:$0x7F7] =	sst s2;
	s2 =	simm.s32 $0x0  }
.LBB2_3:
0x3e: {  	[smem:$0x7EA] =	sst s9  }
0x3f: {  	[smem:$0x7EB] =	sst s3  }
0x40: {  	[smem:$0x7EC] =	sst s2  }
0x41: {  	s4 =	sld [smem:$0x7F7]  }
0x42: {  	s1 =	sand.u32 $0xFFFFFC00, s3;
	s19 =	sshll.u32 s3, $0x2;
	[smem:$0x7ED] =	sst s11  }
0x43: {  	s20 =	sand.u32 $0x3, s2;
	s2 =	sshll.u32 s12, $0x4;
	s24 =	sld [smem:$0x7F8]  }
0x44: {  	s0 =	sadd.s32 s1, s9;
	s5 =	sand.u32 $0xFFFFF000, s19;
	s21 =	sshll.u32 s20, $0x7  }
0x45: {  	s6 =	sand.u32 $0x80, s2;
	s22 =	sadd.s32 s1, s11;
	[dreg:$0xb] =	wrdreg s0  }
0x46: {  	s7 =	sor.u32 s21, s5;
	s0 =	sand.u32 $0x60, s2;
	s4 =	sadd.s32 s6, s4  }
0x47: {  	[dreg:$0x5] =	wrdreg s22;
	s7 =	sshrl.u32 s7, $0x2;
	s23 =	sadd.s32 s0, s4  }
0x48: {  	[smem:$0x7EE] =	sst s4;
	s7 =	sadd.s32 s7, s24;
	v1 =	vld [tilespmem:s23+$0x0]  }
0x49: {  	v4 =	vld [tilespmem:s7+$0xFFFFF480]  }
0x4a: {  	v11 =	vld [tilespmem:s7+$0xFFFFFC80]  }
0x4b: {  	v2 =	vld [tilespmem:s7+$0xFFFFF700]  }
0x4c: {  	v0 =	vld [tilespmem:s7+$0xFFFFF780]  }
0x4d: {  	v17 =	vld [tilespmem:s7+$0xFFFFF680]  }
0x4e: {  	s26 =	sld [smem:$0x7FD];
	v6 =	vld [tilespmem:s7+$0xFFFFF600]  }
0x4f: {  	s30 =	sld [smem:$0x7FA];
	v9 =	vld [tilespmem:s7+$0xFFFFF800]  }
0x50: {  	v15 =	vimm.f32 $0.0e+00;
	v8 =	vld [tilespmem:s7+$0xFFFFF580];
	[smem:$0x7EF] =	sst s10  }
0x51: {  	s25 =	sand.u32 $0x7, s10;
	s3 =	sshll.u32 s20, $0x5;
	v7 =	vld [tilespmem:s7+$0xFFFFFE80];
	v5 =	vadd.f32 v4, v15  }
0x52: {  	s29 =	sadd.s32 s1, s26;
	s1 =	sadd.s32 s1, s30;
	s6 =	sshll.u32 s25, $0x6;
	v3 =	vld [tilespmem:s7+$0xFFFFF500]  }
0x53: {  	s31 =	sld [smem:$0x7FB];
	s3 =	sadd.s32 s3, s1;
	s5 =	sor.u32 s6, s5;
	v12 =	vld [tilespmem:s7+$0xFFFFFE00];
	v19 =	vmul.f32 v4, v4;
	v14 =	vmul.f32 v6, v6;
	v13 =	vadd.f32 v17, v5  }
0x54: {  	v25 =	vimm.f32 $0.0e+00;
	s6 =	simm.s32 $0x0;
	s10 =	sshll.u32 s25, $0x4;
	s3 =	sshll.u32 s3, $0x2;
	v4 =	vld [tilespmem:s7+$0x0];
	v10 =	vmul.f32 v0, v0;
	v24 =	vmul.f32 v9, v9  }
0x55: {  	s5 =	sshrl.u32 s5, $0x2;
	s9 =	sadd.s32 s10, s29;
	s18 =	sshra.s32 s3, $0x2;
	v20 =	vmul.f32 v8, v8;
	v23 =	vadd.f32 v14, v15;
	v21 =	vadd.f32 v11, v13;
	v13 =	vld [tilespmem:s7+$0xFFFFFF80]  }
0x56: {  	s17 =	sadd.s32 s5, s31;
	s9 =	sshll.u32 s9, $0x2;
	v18 =	vadd.f32 v6, v15;
	v6 =	vld [tilespmem:s7+$0xFFFFFF00];
	v16 =	vmul.f32 v11, v11;
	v22 =	vmul.f32 v17, v17;
	[smem:$0x7F0] =	sst s12  }
0x57: {  	s3 =	sshll.u32 s12, $0x7;
	s13 =	sadd.s32 $0xC000, s18;
	s1 =	sshra.s32 s9, $0x2;
	v5 =	vmul.f32 v2, v2;
	v23 =	vadd.f32 v24, v23;
	v24 =	vimm.f32 $0.0e+00;
	v11 =	vld [tilespmem:s7+$0xFFFFFD80]  }
0x58: {  	s5 =	sand.u32 $0x400, s3;
	s9 =	sadd.s32 $0x1000, s7;
	s28 =	sadd.s32 $0xC000, s1;
	v17 =	vld [tilespmem:s7+$0xFFFFFD00];
	v14 =	vadd.f32 v7, v21;
	v21 =	vadd.f32 v19, v15;
	v19 =	vimm.f32 $0.0e+00  }
.LBB2_4:
0x59: {  	v26 =	vld [tilespmem:s9+$0xFFFFF480];
	s6 =	sadd.s32 $0x10, s6;
	v15 =	vadd.f32 v3, v15;
	v20 =	vadd.f32 v20, v25;
	v25 =	vmul.f32 v12, v12  }
0x5a: {  	v8 =	vadd.f32 v8, v24;
	v24 =	vmul.f32 v3, v3;
	v9 =	vadd.f32 v9, v18;
	v27 =	vld [tilespmem:s9+$0xFFFFFC80];
	p0 =	slt.u32 s6, $0x30;
	v28 =	vmovc v13  }
0x5b: {  	v7 =	vmul.f32 v7, v7;
	v21 =	vadd.f32 v22, v21;
	v18 =	vld [tilespmem:s9+$0xFFFFF700];
	v22 =	vadd.f32 v25, v23  }
0x5c: {  	v23 =	vadd.f32 v0, v8;
	v20 =	vadd.f32 v10, v20;
	v25 =	vmul.f32 v13, v28;
	v0 =	vld [tilespmem:s9+$0xFFFFF780]  }
0x5d: {  	v10 =	vadd.f32 v24, v19;
	v8 =	vadd.f32 v12, v9;
	v9 =	vmul.f32 v4, v4;
	v3 =	vld [tilespmem:s9+$0xFFFFF500]  }
0x5e: {  	v13 =	vadd.f32 v2, v15;
	v12 =	vadd.f32 v26, v14;
	v26 =	vmul.f32 v26, v26;
	v29 =	vld [tilespmem:s9+$0xFFFFF680]  }
0x5f: {  	v19 =	vmul.f32 v6, v6;
	v15 =	vadd.f32 v16, v21;
	v16 =	vadd.f32 v4, v8;
	v14 =	vld [tilespmem:s9+$0xFFFFF600]  }
0x60: {  	v4 =	vadd.f32 v5, v10;
	v5 =	vmul.f32 v17, v17;
	v21 =	vadd.f32 v9, v22;
	v8 =	vld [tilespmem:s9+$0xFFFFF580];
	v2 =	vmovc v18  }
0x61: {  	v13 =	vadd.f32 v17, v13;
	v17 =	vmul.f32 v11, v11;
	v22 =	vadd.f32 v7, v15;
	v9 =	vld [tilespmem:s9+$0xFFFFF800]  }
0x62: {  	v11 =	vadd.f32 v11, v23;
	v23 =	vadd.f32 v5, v4;
	v10 =	vmul.f32 v0, v0;
	v7 =	vld [tilespmem:s9+$0xFFFFFE80]  }
0x63: {  	v15 =	vadd.f32 v6, v13;
	v5 =	vmul.f32 v18, v2;
	v24 =	vadd.f32 v29, v12;
	v4 =	vld [tilespmem:s9+$0x0]  }
.Ltmp0:
0x64: {  	v17 =	vadd.f32 v17, v20;
	v18 =	vadd.f32 v14, v16;
	v6 =	vmul.f32 v14, v14;
	v12 =	vld [tilespmem:s9+$0xFFFFFE00];
	(pc) =	sbr.rel @p0 .LBB2_4-.Ltmp0, $4  }
0x65: {  	v19 =	vadd.f32 v19, v23;
	v20 =	vmul.f32 v8, v8;
	v14 =	vadd.f32 v27, v24;
	v13 =	vld [tilespmem:s9+$0xFFFFFF80]  }
0x66: {  	v24 =	vadd.f32 v28, v11;
	v23 =	vadd.f32 v6, v21;
	v30 =	vmul.f32 v9, v9;
	v6 =	vld [tilespmem:s9+$0xFFFFFF00]  }
0x67: {  	v25 =	vadd.f32 v25, v17;
	v16 =	vmul.f32 v27, v27;
	v11 =	vld [tilespmem:s9+$0xFFFFFD80];
	v14 =	vadd.f32 v7, v14  }
0x68: {  	v21 =	vadd.f32 v26, v22;
	v22 =	vmul.f32 v29, v29;
	v23 =	vadd.f32 v30, v23;
	v17 =	vld [tilespmem:s9+$0xFFFFFD00];
	s9 =	sadd.s32 $0x1000, s9  }
0x69: {  	v15 =	vadd.f32 v3, v15;
	v20 =	vadd.f32 v20, v25;
	v25 =	vmul.f32 v12, v12  }
0x6a: {  	v8 =	vadd.f32 v8, v24;
	v9 =	vadd.f32 v9, v18  }
0x6b: {  	v3 =	vmul.f32 v3, v3;
	v18 =	vadd.f32 v22, v21;
	v21 =	vadd.f32 v25, v23  }
0x6c: {  	v0 =	vadd.f32 v0, v8;
	v8 =	vadd.f32 v10, v20  }
0x6d: {  	v3 =	vadd.f32 v3, v19;
	v9 =	vadd.f32 v12, v9  }
0x6e: {  	v7 =	vmul.f32 v7, v7;
	v2 =	vadd.f32 v2, v15;
	v10 =	vadd.f32 v16, v18  }
0x6f: {  	v12 =	vmul.f32 v4, v4;
	v4 =	vadd.f32 v4, v9;
	v3 =	vadd.f32 v5, v3  }
0x70: {  	v5 =	vmul.f32 v17, v17;
	v2 =	vadd.f32 v17, v2;
	v0 =	vadd.f32 v11, v0  }
0x71: {  	v9 =	vadd.f32 v12, v21;
	v11 =	vmul.f32 v11, v11;
	v7 =	vadd.f32 v7, v10  }
0x72: {  	v10 =	vmul.f32 v13, v13;
	v2 =	vadd.f32 v6, v2;
	v0 =	vadd.f32 v13, v0  }
0x73: {  	v6 =	vmul.f32 v6, v6;
	v3 =	vadd.f32 v5, v3;
	v5 =	vadd.f32 v11, v8  }
0x74: {  	v2 =	vadd.f32 v2, v14;
	v0 =	vadd.f32 v4, v0  }
0x75: {  	v3 =	vadd.f32 v6, v3;
	v4 =	vadd.f32 v10, v5  }
0x76: {  	v0 =	vadd.f32 v0, v2  }
0x77: {  	v2 =	vadd.f32 v3, v7;
	v3 =	vadd.f32 v9, v4;
	_ =	sdelay $0x1  }
0x78: {  	s4 =	sld [smem:$0x7F5];
	v0 =	vmul.f32 $1.562500000e-02, v0;
	v2 =	vadd.f32 v3, v2;
	_ =	sdelay $0x1  }
0x79: {  	v2 =	vmul.f32 $1.562500000e-02, v2;
	v3 =	vmul.f32 v0, v0  }
0x7a: {  	s29 =	sor.u32 $0x380, s2;
	s5 =	sor.u32 s5, s4;
	s23 =	sor.u32 s3, s4  }
0x7b: {  	[smem:$0x7E9] =	sst s5;
	s5 =	sor.u32 s2, s5;
	s7 =	sor.u32 s23, s29;
	v2 =	vsub.f32 v2, v3  }
0x7c: {  	s6 =	sor.u32 $0x80, s5;
	[dreg:$0xa] =	wrdreg s7  }
0x7d: {  	s26 =	sor.u32 $0x180, s5;
	[dreg:$0x6] =	wrdreg s6;
	v2 =	vadd.f32 $9.999999740e-06, v2  }
0x7e: {  	s21 =	sor.u32 $0x300, s0;
	s5 =	sor.u32 $0x280, s5;
	[dreg:$0x7] =	wrdreg s26  }
0x7f: {  	[dreg:$0x8] =	wrdreg s5;
	s6 =	sor.u32 s23, s21;
	v3 =	vshra.s32 v2, $0x1;
	v2 =	vmul.f32 $5.000000000e-01, v2  }
0x80: {  	v1 =	vmul.u32 $0x41, v1;
	[dreg:$0x9] =	wrdreg s6;
	v3 =	vsub.s32 $0x5F3759DF, v3  }
0x81: {  	s11 =	simm.s32 $0x3;
	v5 =	vld [tilespmem:s18+$0xFFFFF800];
	v4 =	vmul.f32 v3, v2  }
0x82: {  	s10 =	sadd.s32 $0x0, s8;
	v6 =	vld [tilespmem:s18+$0x0];
	v9 =	vadd.s32 s11, v1  }
0x83: {  	s25 =	simm.s32 $0x7;
	s30 =	sor.u32 s29, s10;
	v8 =	vld [tilespmem:s18+$0x200];
	v4 =	vmul.f32 v3, v4  }
0x84: {  	v23 =	vadd.s32 s25, v1;
	v10 =	vld [tilespmem:s30+$0x0]  }
0x85: {  	s9 =	simm.s32 $0x1;
	s5 =	sor.u32 s21, s10;
	v11 =	vld [tilespmem:s18+$0x100];
	v4 =	vsub.f32 $1.500000000e+00, v4  }
0x86: {  	s12 =	rddreg [dreg:$0x5];
	s14 =	simm.s32 $0x4;
	v14 =	vld [tilespmem:s5+$0x0];
	s11 =	simm.s32 $0x5  }
0x87: {  	s16 =	simm.s32 $0xB;
	s22 =	simm.s32 $0xA;
	s24 =	simm.s32 $0x6;
	v18 =	vld.idx.msk [tilespmem:v9+s15+$0x0], $0xffff;
	v9 =	vadd.s32 s11, v1;
	v3 =	vmul.f32 v3, v4  }
0x88: {  	s12 =	sadd.s32 $0x0, s12;
	v22 =	vadd.s32 s24, v1;
	s4 =	simm.s32 $0x9;
	v13 =	vadd.s32 s16, v1;
	s10 =	simm.s32 $0xF;
	v12 =	vld [tilespmem:s18+$0xFFFFF900]  }
0x89: {  	v16 =	vadd.s32 s14, v1;
	s6 =	sor.u32 $0x280, s12;
	s19 =	rddreg [dreg:$0x7];
	v19 =	vadd.s32 s10, v1;
	s10 =	simm.s32 $0x800;
	v23 =	vld.idx.msk [tilespmem:v23+s15+$0x0], $0xffff;
	v2 =	vmul.f32 v3, v2  }
0x8a: {  	v21 =	vadd.s32 s22, v1;
	v26 =	vadd.s32 s4, v1;
	s7 =	simm.s32 $0xE;
	s26 =	simm.s32 $0xD;
	v20 =	vld [tilespmem:s6+$0x0];
	s16 =	sor.u32 s19, s10;
	v7 =	vadd.s32 s9, v1  }
0x8b: {  	v17 =	vadd.s32 s7, v1;
	v25 =	vadd.s32 s26, v1;
	v27 =	vld [tilespmem:s16+$0x0];
	s9 =	simm.s32 $0xC;
	v2 =	vmul.f32 v2, v3  }
0x8c: {  	s14 =	simm.s32 $0x2;
	v15 =	vadd.s32 s9, v1;
	v29 =	vsub.f32 v8, v0;
	v8 =	vsub.f32 v14, v0;
	v14 =	vld.idx.msk [tilespmem:v9+s15+$0x0], $0xffff  }
0x8d: {  	v28 =	vld.idx.msk [tilespmem:v13+s15+$0x0], $0xffff;
	v13 =	vadd.s32 s14, v1;
	v6 =	vsub.f32 v6, v0;
	v2 =	vsub.f32 $1.500000000e+00, v2  }
0x8e: {  	v22 =	vld.idx.msk [tilespmem:v22+s15+$0x0], $0xffff;
	v38 =	vshll.u32 v23, $0x10;
	v10 =	vsub.f32 v10, v0;
	v12 =	vsub.f32 v12, v0  }
0x8f: {  	s9 =	sor.u32 $0x80, s12;
	v5 =	vsub.f32 v5, v0;
	v11 =	vsub.f32 v11, v0;
	v7 =	vld.idx.msk [tilespmem:v7+s15+$0x0], $0xffff;
	v2 =	vmul.f32 v2, v3  }
0x90: {  	s20 =	simm.s32 $0x8;
	v24 =	vld [tilespmem:s9+$0x0];
	v20 =	vsub.f32 v20, v0;
	v27 =	vsub.f32 v27, v0;
	v30 =	vand.u32 $0xFFFF0000, v18  }
0x91: {  	v35 =	vshll.u32 v14, $0x10;
	v4 =	vld [tilespmem:s18+$0xFFFFFA00];
	v3 =	vadd.s32 s20, v1;
	v10 =	vmul.f32 v10, v2  }
0x92: {  	v17 =	vld.idx.msk [tilespmem:v17+s15+$0x0], $0xffff;
	v14 =	vand.u32 $0xFFFF0000, v14;
	s20 =	simm.s32 $0x0;
	v5 =	vmul.f32 v5, v2;
	v9 =	vmul.f32 v11, v2  }
0x93: {  	s22 =	rddreg [dreg:$0x9];
	v31 =	vadd.s32 s20, v1;
	v6 =	vmul.f32 v6, v2;
	v11 =	vld.idx.msk [tilespmem:v15+s15+$0x0], $0xffff;
	v20 =	vmul.f32 v20, v2  }
0x94: {  	s19 =	sor.u32 s22, s10;
	v15 =	vand.u32 $0xFFFF0000, v7;
	v34 =	vmul.f32 v12, v2;
	v12 =	vld.idx.msk [tilespmem:v26+s15+$0x0], $0xffff;
	v26 =	vand.u32 $0xFFFF0000, v23  }
0x95: {  	v62 =	vld [tilespmem:s19+$0x0];
	v27 =	vmul.f32 v27, v2;
	v7 =	vshll.u32 v7, $0x10;
	v61 =	vmul.f32 v8, v2  }
0x96: {  	v23 =	vand.u32 $0xFFFF0000, v28;
	v32 =	vld.idx.msk [tilespmem:v3+s15+$0x0], $0xffff;
	v3 =	vsub.f32 v4, v0;
	v4 =	vsub.f32 v24, v0  }
0x97: {  	s0 =	sor.u32 $0x180, s12;
	v13 =	vld.idx.msk [tilespmem:v13+s15+$0x0], $0xffff;
	v40 =	vmul.f32 v23, v27;
	v27 =	vmul.f32 v29, v2;
	v23 =	vand.u32 $0xFFFF0000, v17  }
0x98: {  	s24 =	rddreg [dreg:$0x6];
	v14 =	vmul.f32 v14, v20;
	v20 =	vshll.u32 v28, $0x10;
	v24 =	vld [tilespmem:s0+$0x0];
	v4 =	vmul.f32 v4, v2  }
0x99: {  	s25 =	rddreg [dreg:$0xa];
	s3 =	sor.u32 s24, s10;
	v26 =	vmul.f32 v26, v10;
	v37 =	vld.idx.msk [tilespmem:v31+s15+$0x0], $0xffff;
	v31 =	vand.u32 $0xFFFF0000, v22;
	v22 =	vshll.u32 v22, $0x10  }
0x9a: {  	s31 =	sor.u32 s25, s10;
	v39 =	vld [tilespmem:s3+$0x0];
	v63 =	vadd.f32 v20, v40;
	v20 =	vshll.u32 v17, $0x10;
	v15 =	vmul.f32 v15, v4  }
0x9b: {  	v28 =	vld [tilespmem:s31+$0x0];
	v17 =	vadd.f32 v35, v14;
	v14 =	vsub.f32 v62, v0;
	v31 =	vmul.f32 v31, v61  }
0x9c: {  	v3 =	vmul.f32 v3, v2;
	v4 =	vld.idx.msk [tilespmem:v19+s15+$0x0], $0xffff;
	v36 =	vadd.f32 v7, v15;
	v7 =	vand.u32 $0xFFFF0000, v13  }
0x9d: {  	v22 =	vadd.f32 v22, v31;
	v19 =	vsub.f32 v24, v0;
	v24 =	vld.idx.msk [tilespmem:v21+s15+$0x0], $0xffff;
	v7 =	vmul.f32 v7, v34  }
0x9e: {  	v31 =	vand.u32 $0xFFFF0000, v11;
	v15 =	vshll.u32 v18, $0x10;
	v18 =	vld.idx.msk [tilespmem:v25+s15+$0x0], $0xffff;
	v25 =	vshll.u32 v13, $0x10  }
0x9f: {  	v33 =	vand.u32 $0xFFFF0000, v32;
	v19 =	vmul.f32 v19, v2;
	v29 =	vadd.f32 v25, v7;
	v7 =	vld.idx.msk [tilespmem:v16+s15+$0x0], $0xffff  }
0xa0: {  	s26 =	rddreg [dreg:$0x8];
	[tilespmem:s16+$0xC000] =	vst v63;
	v6 =	vmul.f32 v33, v6;
	v13 =	vand.u32 $0xFFFF0000, v12;
	v21 =	vand.u32 $0xFFFF0000, v37  }
0xa1: {  	[tilespmem:s5+$0xC000] =	vst v22;
	v22 =	vshll.u32 v32, $0x10;
	v25 =	vmul.f32 v30, v19;
	v19 =	vsub.f32 v28, v0  }
0xa2: {  	v8 =	vand.u32 $0xFFFF0000, v4;
	v28 =	vadd.f32 v38, v26;
	[tilespmem:s13+$0xFFFFF900] =	vst v29;
	v29 =	vsub.f32 v39, v0  }
0xa3: {  	s22 =	sor.u32 s26, s10;
	s10 =	simm.s32 $0x1000;
	[tilespmem:s6+$0xC000] =	vst v17;
	v30 =	vand.u32 $0xFFFF0000, v24;
	v16 =	vand.u32 $0xFFFF0000, v18;
	v10 =	vshll.u32 v18, $0x10  }
0xa4: {  	s11 =	sadd.s32 $0x1000, s13;
	s18 =	sadd.s32 $0x1000, s18;
	[tilespmem:s9+$0xC000] =	vst v36;
	s9 =	simm.s32 $0x10;
	v18 =	vshll.u32 v37, $0x10;
	v26 =	vmul.f32 v29, v2;
	v29 =	vld [tilespmem:s22+$0x0];
	v17 =	vand.u32 $0xFFFF0000, v7  }
.LBB2_6:
0xa5: {  	v24 =	vshll.u32 v24, $0x10  }
0xa6: {  	v32 =	vld [tilespmem:s18+$0xFFFFFA00];
	v9 =	vmul.f32 v30, v9;
	v11 =	vshll.u32 v11, $0x10;
	v12 =	vshll.u32 v12, $0x10  }
0xa7: {  	v34 =	vld [tilespmem:s18+$0x0];
	v5 =	vmul.f32 v21, v5;
	v6 =	vadd.f32 v22, v6;
	v17 =	vmul.f32 v17, v3  }
0xa8: {  	s5 =	rddreg [dreg:$0x5];
	s6 =	sadd.s32 $0x1, s9;
	s16 =	sadd.s32 $0x3, s9;
	v35 =	vld [tilespmem:s18+$0x200];
	v7 =	vshll.u32 v7, $0x10;
	v4 =	vshll.u32 v4, $0x10;
	v27 =	vmul.f32 v31, v27  }
0xa9: {  	s7 =	sadd.s32 s10, s8;
	s25 =	sadd.s32 $0xE, s9;
	s26 =	sadd.s32 $0x5, s9;
	v21 =	vld [tilespmem:s18+$0xFFFFF900];
	v14 =	vmul.f32 v14, v2;
	v33 =	vadd.s32 s6, v1;
	v30 =	vadd.s32 s16, v1  }
0xaa: {  	v31 =	vld [tilespmem:s18+$0xFFFFF800];
	s14 =	sor.u32 s21, s7;
	s7 =	sor.u32 s29, s7;
	v15 =	vadd.f32 v15, v25;
	[tilespmem:s30+$0xC000] =	vst v28;
	v36 =	vadd.s32 s25, v1;
	v38 =	vadd.s32 s26, v1;
	s26 =	sadd.s32 $0x6, s9  }
0xab: {  	s5 =	sadd.s32 s10, s5;
	v13 =	vmul.f32 v13, v26;
	v19 =	vmul.f32 v19, v2;
	v25 =	vld [tilespmem:s7+$0x0];
	v55 =	vadd.s32 s26, v1  }
0xac: {  	s24 =	sadd.s32 $0x4, s9;
	s16 =	sadd.s32 $0x2, s9;
	s6 =	sor.u32 $0x280, s5;
	v26 =	vld [tilespmem:s14+$0x0];
	v5 =	vadd.f32 v18, v5;
	v9 =	vadd.f32 v24, v9;
	v23 =	vmul.f32 v23, v14  }
0xad: {  	s12 =	sadd.s32 $0xB, s9;
	s30 =	rddreg [dreg:$0x7];
	s25 =	sadd.s32 $0x800, s10;
	v42 =	vadd.s32 s16, v1;
	v7 =	vadd.f32 v7, v17;
	v11 =	vadd.f32 v11, v27;
	v22 =	vld [tilespmem:s6+$0x0]  }
0xae: {  	s4 =	sor.u32 $0x180, s5;
	v14 =	vadd.s32 s24, v1;
	v27 =	vadd.s32 s12, v1;
	s12 =	sor.u32 $0x80, s5;
	s5 =	sadd.s32 $0x8, s9;
	[tilespmem:s0+$0xC000] =	vst v15;
	v20 =	vadd.f32 v20, v23;
	v23 =	vld [tilespmem:s18+$0x100]  }
0xaf: {  	s24 =	sadd.s32 $0xC, s9;
	s0 =	sadd.s32 $0x7, s9;
	v8 =	vmul.f32 v8, v19;
	[tilespmem:s13+$0x200] =	vst v11;
	v11 =	vsub.f32 v29, v0;
	v29 =	vadd.s32 s5, v1;
	s5 =	sor.u32 s30, s25;
	v15 =	vld.idx.msk [tilespmem:v33+s15+$0x0], $0xffff  }
0xb0: {  	v3 =	vadd.f32 v12, v13;
	v28 =	vadd.s32 s24, v1;
	s24 =	sadd.s32 $0xF, s9;
	v41 =	vadd.s32 s0, v1;
	v18 =	vld [tilespmem:s5+$0x0]  }
0xb1: {  	v37 =	vadd.s32 s24, v1;
	v34 =	vsub.f32 v34, v0;
	v21 =	vsub.f32 v21, v0;
	[tilespmem:s19+$0xC000] =	vst v20;
	v20 =	vld.idx.msk [tilespmem:v30+s15+$0x0], $0xffff  }
0xb2: {  	s24 =	sadd.s32 $0xA, s9;
	v12 =	vsub.f32 v32, v0;
	v11 =	vmul.f32 v11, v2;
	v13 =	vsub.f32 v26, v0;
	v26 =	vld.idx.msk [tilespmem:v38+s15+$0x0], $0xffff  }
0xb3: {  	[tilespmem:s13+$0x0] =	vst v6;
	v4 =	vadd.f32 v4, v8;
	v39 =	vadd.s32 s24, v1;
	s24 =	sadd.s32 $0xD, s9;
	v25 =	vsub.f32 v25, v0;
	v56 =	vld.idx.msk [tilespmem:v42+s15+$0x0], $0xffff  }
0xb4: {  	[tilespmem:s3+$0xC000] =	vst v3;
	v6 =	vsub.f32 v31, v0;
	v40 =	vadd.s32 s24, v1;
	v11 =	vmul.f32 v16, v11;
	v16 =	vld [tilespmem:s12+$0x0]  }
0xb5: {  	s30 =	sadd.s32 $0x9, s9;
	v3 =	vmul.f32 v12, v2;
	v17 =	vsub.f32 v22, v0;
	v19 =	vmul.f32 v25, v2;
	v25 =	vld.idx.msk [tilespmem:v27+s15+$0x0], $0xffff  }
0xb6: {  	[tilespmem:s13+$0xFFFFF800] =	vst v5;
	v30 =	vadd.s32 s30, v1;
	v21 =	vmul.f32 v21, v2;
	v5 =	vmul.f32 v6, v2;
	v24 =	vld.idx.msk [tilespmem:v41+s15+$0x0], $0xffff  }
0xb7: {  	s20 =	smov.u32 s9;
	v27 =	vsub.f32 v35, v0;
	v23 =	vsub.f32 v23, v0;
	v29 =	vld.idx.msk [tilespmem:v29+s15+$0x0], $0xffff;
	v17 =	vmul.f32 v17, v2  }
0xb8: {  	[tilespmem:s13+$0xFFFFFA00] =	vst v7;
	v6 =	vadd.f32 v10, v11;
	v10 =	vadd.s32 s20, v1;
	v18 =	vsub.f32 v18, v0;
	v11 =	vld.idx.msk [tilespmem:v28+s15+$0x0], $0xffff  }
0xb9: {  	s0 =	smov.u32 s4;
	[tilespmem:s13+$0x100] =	vst v9;
	v7 =	vand.u32 $0xFFFF0000, v15;
	v9 =	vmul.f32 v23, v2;
	v23 =	vld.idx.msk [tilespmem:v55+s15+$0x0], $0xffff;
	v12 =	vsub.f32 v16, v0  }
0xba: {  	v27 =	vmul.f32 v27, v2;
	v31 =	vand.u32 $0xFFFF0000, v20;
	v28 =	vshll.u32 v26, $0x10;
	v16 =	vld [tilespmem:s0+$0x0]  }
0xbb: {  	v57 =	vld.idx.msk [tilespmem:v36+s15+$0x0], $0xffff;
	v26 =	vand.u32 $0xFFFF0000, v26;
	[tilespmem:s22+$0xC000] =	vst v6;
	v6 =	vmul.f32 v34, v2;
	v8 =	vmul.f32 v12, v2  }
0xbc: {  	s26 =	rddreg [dreg:$0x6];
	[tilespmem:s31+$0xC000] =	vst v4;
	v18 =	vmul.f32 v18, v2;
	v17 =	vmul.f32 v26, v17;
	v59 =	vshll.u32 v24, $0x10;
	v12 =	vld.idx.msk [tilespmem:v30+s15+$0x0], $0xffff  }
0xbd: {  	s4 =	sor.u32 s26, s25;
	s19 =	rddreg [dreg:$0xa];
	v4 =	vld.idx.msk [tilespmem:v37+s15+$0x0], $0xffff;
	v22 =	vand.u32 $0xFFFF0000, v29;
	v30 =	vand.u32 $0xFFFF0000, v24;
	v7 =	vmul.f32 v7, v8  }
0xbe: {  	s3 =	smov.u32 s4;
	s24 =	rddreg [dreg:$0x9];
	v6 =	vmul.f32 v22, v6;
	v58 =	vld.idx.msk [tilespmem:v10+s15+$0x0], $0xffff;
	v10 =	vshll.u32 v56, $0x10;
	v8 =	vshll.u32 v15, $0x10  }
0xbf: {  	v63 =	vld [tilespmem:s3+$0x0];
	s26 =	sor.u32 s19, s25;
	s19 =	sor.u32 s24, s25;
	v61 =	vshll.u32 v23, $0x10;
	v16 =	vsub.f32 v16, v0;
	v7 =	vadd.f32 v8, v7  }
0xc0: {  	v60 =	vld [tilespmem:s19+$0x0];
	v15 =	vshll.u32 v20, $0x10;
	v20 =	vmul.f32 v13, v2;
	v8 =	vand.u32 $0xFFFF0000, v56  }
0xc1: {  	s31 =	smov.u32 s26;
	v22 =	vld.idx.msk [tilespmem:v40+s15+$0x0], $0xffff;
	v16 =	vmul.f32 v16, v2;
	v13 =	vand.u32 $0xFFFF0000, v12;
	[tilespmem:s12+$0xC000] =	vst v7;
	v7 =	vmul.f32 v8, v21  }
0xc2: {  	v62 =	vld [tilespmem:s31+$0x0];
	v21 =	vand.u32 $0xFFFF0000, v23;
	v23 =	vand.u32 $0xFFFF0000, v25;
	v8 =	vand.u32 $0xFFFF0000, v4  }
0xc3: {  	v24 =	vld.idx.msk [tilespmem:v39+s15+$0x0], $0xffff;
	v25 =	vshll.u32 v25, $0x10;
	v18 =	vmul.f32 v23, v18;
	v23 =	vand.u32 $0xFFFF0000, v57  }
0xc4: {  	v26 =	vmul.f32 v21, v20;
	v20 =	vshll.u32 v57, $0x10;
	v10 =	vadd.f32 v10, v7  }
0xc5: {  	p0 =	slt.u32 s9, $0x30;
	v21 =	vand.u32 $0xFFFF0000, v58;
	v7 =	vld.idx.msk [tilespmem:v14+s15+$0x0], $0xffff;
	v14 =	vsub.f32 v60, v0;
	v18 =	vadd.f32 v25, v18  }
.Ltmp1:
0xc6: {  	v25 =	vmul.f32 v31, v16;
	v16 =	vand.u32 $0xFFFF0000, v22;
	v31 =	vand.u32 $0xFFFF0000, v11;
	(pc) =	sbr.rel @p0 .LBB2_6-.Ltmp1, $4  }
0xc7: {  	s16 =	rddreg [dreg:$0x8];
	[tilespmem:s11+$0xFFFFF900] =	vst v10;
	v10 =	vadd.f32 v28, v17;
	v17 =	vmul.f32 v30, v19;
	v19 =	vsub.f32 v62, v0  }
0xc8: {  	s30 =	smov.u32 s7;
	s7 =	sor.u32 s16, s25;
	v30 =	vand.u32 $0xFFFF0000, v24;
	[tilespmem:s5+$0xC000] =	vst v18;
	v18 =	vadd.f32 v61, v26;
	v26 =	vsub.f32 v63, v0  }
0xc9: {  	s10 =	sadd.s32 $0x1000, s10;
	s13 =	smov.u32 s11;
	s22 =	smov.u32 s7;
	[tilespmem:s6+$0xC000] =	vst v10;
	v10 =	vshll.u32 v22, $0x10;
	v28 =	vadd.f32 v59, v17;
	v22 =	vshll.u32 v29, $0x10  }
0xca: {  	s18 =	sadd.s32 $0x1000, s18;
	s9 =	sadd.s32 $0x10, s9;
	s11 =	sadd.s32 $0x1000, s11;
	v29 =	vld [tilespmem:s22+$0x0];
	[tilespmem:s14+$0xC000] =	vst v18;
	v26 =	vmul.f32 v26, v2;
	v18 =	vshll.u32 v58, $0x10;
	v17 =	vand.u32 $0xFFFF0000, v7  }
0xcb: {  	s4 =	sld [smem:$0x7EE];
	v62 =	vld [tilespmem:s17+$0xFFFFF480]  }
0xcc: {  	s9 =	sor.u32 $0x10, s2;
	v27 =	vmul.f32 v31, v27;
	v14 =	vmul.f32 v14, v2;
	v63 =	vld [tilespmem:s17+$0xFFFFFC80]  }
0xcd: {  	v30 =	vmul.f32 v30, v9;
	v24 =	vshll.u32 v24, $0x10;
	v11 =	vshll.u32 v11, $0x10;
	v9 =	vld [tilespmem:s17+$0xFFFFF700];
	s10 =	sand.u32 $0x70, s9  }
0xce: {  	v12 =	vshll.u32 v12, $0x10;
	v5 =	vmul.f32 v21, v5;
	v21 =	vld [tilespmem:s17+$0xFFFFF600];
	v14 =	vmul.f32 v23, v14;
	s4 =	sadd.s32 s10, s4  }
0xcf: {  	v3 =	vmul.f32 v17, v3;
	v11 =	vadd.f32 v11, v27;
	v1 =	vld [tilespmem:s4+$0x0];
	v0 =	vsub.f32 v29, v0  }
0xd0: {  	v13 =	vmul.f32 v13, v26;
	v14 =	vadd.f32 v20, v14;
	v20 =	vadd.f32 v22, v6;
	v6 =	vld [tilespmem:s17+$0xFFFFF580]  }
0xd1: {  	[tilespmem:s30+$0xC000] =	vst v28;
	v23 =	vadd.f32 v15, v25;
	v15 =	vmul.f32 v0, v2;
	v2 =	vmul.f32 v19, v2;
	v19 =	vld [tilespmem:s17+$0xFFFFF680]  }
0xd2: {  	v5 =	vadd.f32 v18, v5;
	[tilespmem:s13+$0x200] =	vst v11;
	v11 =	vadd.f32 v12, v13;
	v13 =	vshll.u32 v7, $0x10;
	v7 =	vld [tilespmem:s17+$0xFFFFFE80]  }
0xd3: {  	[tilespmem:s0+$0xC000] =	vst v23;
	v17 =	vadd.f32 v13, v3;
	v0 =	vld [tilespmem:s17+$0xFFFFF780];
	v16 =	vmul.f32 v16, v15;
	v15 =	vimm.f32 $0.0e+00  }
0xd4: {  	[tilespmem:s13+$0xFFFFF800] =	vst v5;
	v22 =	vmul.f32 v62, v62;
	v2 =	vmul.f32 v8, v2;
	v8 =	vld [tilespmem:s17+$0xFFFFF800];
	v12 =	vadd.f32 v62, v15  }
0xd5: {  	v5 =	vld [tilespmem:s17+$0x0];
	v3 =	vmul.f32 v9, v9;
	[tilespmem:s19+$0xC000] =	vst v14;
	v14 =	vadd.f32 v24, v30;
	v18 =	vadd.f32 v21, v15  }
0xd6: {  	v13 =	vld [tilespmem:s17+$0xFFFFFE00];
	[tilespmem:s13+$0x0] =	vst v20;
	v10 =	vadd.f32 v10, v16;
	v16 =	vshll.u32 v4, $0x10;
	v12 =	vadd.f32 v19, v12  }
0xd7: {  	[tilespmem:s3+$0xC000] =	vst v11;
	v20 =	vmul.f32 v6, v6;
	v4 =	vld [tilespmem:s17+$0xFFFFF500];
	v24 =	vadd.f32 v16, v2;
	v2 =	vmul.f32 v21, v21  }
0xd8: {  	[tilespmem:s13+$0xFFFFFA00] =	vst v17;
	v11 =	vmul.f32 v0, v0;
	v16 =	vmul.f32 v63, v63;
	v23 =	vadd.f32 v63, v12;
	v12 =	vld [tilespmem:s17+$0xFFFFFF80]  }
0xd9: {  	v17 =	vld [tilespmem:s17+$0xFFFFFD00];
	v21 =	vadd.f32 v22, v15;
	[tilespmem:s22+$0xC000] =	vst v10;
	v25 =	vadd.f32 v2, v15;
	v26 =	vmul.f32 v8, v8  }
0xda: {  	v22 =	vmul.f32 v19, v19;
	v19 =	vimm.f32 $0.0e+00;
	v10 =	vld [tilespmem:s17+$0xFFFFFD80];
	[tilespmem:s31+$0xC000] =	vst v24;
	v24 =	vimm.f32 $0.0e+00  }
0xdb: {  	s0 =	simm.s32 $0x0;
	s3 =	sadd.s32 $0x1000, s17;
	[tilespmem:s13+$0x100] =	vst v14;
	v2 =	vld [tilespmem:s17+$0xFFFFFF00];
	v14 =	vadd.f32 v7, v23;
	v23 =	vadd.f32 v26, v25;
	v25 =	vimm.f32 $0.0e+00  }
.LBB2_8:
0xdc: {  	v26 =	vld [tilespmem:s3+$0xFFFFF480];
	s0 =	sadd.s32 $0x10, s0;
	v15 =	vadd.f32 v4, v15;
	v20 =	vadd.f32 v20, v25;
	v25 =	vmul.f32 v13, v13  }
0xdd: {  	v6 =	vadd.f32 v6, v24;
	v24 =	vmul.f32 v4, v4;
	v8 =	vadd.f32 v8, v18;
	v27 =	vld [tilespmem:s3+$0xFFFFFC80];
	p0 =	slt.u32 s0, $0x30;
	v28 =	vmovc v12  }
0xde: {  	v7 =	vmul.f32 v7, v7;
	v21 =	vadd.f32 v22, v21;
	v18 =	vld [tilespmem:s3+$0xFFFFF700];
	v22 =	vadd.f32 v25, v23  }
0xdf: {  	v23 =	vadd.f32 v0, v6;
	v20 =	vadd.f32 v11, v20;
	v25 =	vmul.f32 v12, v28;
	v0 =	vld [tilespmem:s3+$0xFFFFF780]  }
0xe0: {  	v11 =	vadd.f32 v24, v19;
	v6 =	vadd.f32 v13, v8;
	v8 =	vmul.f32 v5, v5;
	v4 =	vld [tilespmem:s3+$0xFFFFF500]  }
0xe1: {  	v13 =	vadd.f32 v9, v15;
	v12 =	vadd.f32 v26, v14;
	v26 =	vmul.f32 v26, v26;
	v29 =	vld [tilespmem:s3+$0xFFFFF680]  }
0xe2: {  	v19 =	vmul.f32 v2, v2;
	v15 =	vadd.f32 v16, v21;
	v16 =	vadd.f32 v5, v6;
	v14 =	vld [tilespmem:s3+$0xFFFFF600]  }
0xe3: {  	v3 =	vadd.f32 v3, v11;
	v5 =	vmul.f32 v17, v17;
	v21 =	vadd.f32 v8, v22;
	v6 =	vld [tilespmem:s3+$0xFFFFF580];
	v9 =	vmovc v18  }
0xe4: {  	v13 =	vadd.f32 v17, v13;
	v17 =	vmul.f32 v10, v10;
	v22 =	vadd.f32 v7, v15;
	v8 =	vld [tilespmem:s3+$0xFFFFF800]  }
0xe5: {  	v10 =	vadd.f32 v10, v23;
	v23 =	vadd.f32 v5, v3;
	v11 =	vmul.f32 v0, v0;
	v7 =	vld [tilespmem:s3+$0xFFFFFE80]  }
0xe6: {  	v15 =	vadd.f32 v2, v13;
	v3 =	vmul.f32 v18, v9;
	v12 =	vadd.f32 v29, v12;
	v5 =	vld [tilespmem:s3+$0x0]  }
.Ltmp2:
0xe7: {  	v17 =	vadd.f32 v17, v20;
	v18 =	vadd.f32 v14, v16;
	v2 =	vmul.f32 v14, v14;
	v13 =	vld [tilespmem:s3+$0xFFFFFE00];
	(pc) =	sbr.rel @p0 .LBB2_8-.Ltmp2, $4  }
0xe8: {  	v19 =	vadd.f32 v19, v23;
	v20 =	vmul.f32 v6, v6;
	v14 =	vadd.f32 v27, v12;
	v12 =	vld [tilespmem:s3+$0xFFFFFF80]  }
0xe9: {  	v24 =	vadd.f32 v28, v10;
	v23 =	vadd.f32 v2, v21;
	v30 =	vmul.f32 v8, v8;
	v2 =	vld [tilespmem:s3+$0xFFFFFF00]  }
0xea: {  	v25 =	vadd.f32 v25, v17;
	v16 =	vmul.f32 v27, v27;
	v10 =	vld [tilespmem:s3+$0xFFFFFD80];
	v14 =	vadd.f32 v7, v14  }
0xeb: {  	v21 =	vadd.f32 v26, v22;
	v22 =	vmul.f32 v29, v29;
	v23 =	vadd.f32 v30, v23;
	v17 =	vld [tilespmem:s3+$0xFFFFFD00];
	s3 =	sadd.s32 $0x1000, s3  }
0xec: {  	v15 =	vadd.f32 v4, v15;
	v20 =	vadd.f32 v20, v25;
	v25 =	vmul.f32 v13, v13  }
0xed: {  	v6 =	vadd.f32 v6, v24;
	v8 =	vadd.f32 v8, v18  }
0xee: {  	v4 =	vmul.f32 v4, v4;
	v18 =	vadd.f32 v22, v21;
	v21 =	vadd.f32 v25, v23  }
0xef: {  	v0 =	vadd.f32 v0, v6;
	v6 =	vadd.f32 v11, v20  }
0xf0: {  	v4 =	vadd.f32 v4, v19;
	v8 =	vadd.f32 v13, v8  }
0xf1: {  	v7 =	vmul.f32 v7, v7;
	v9 =	vadd.f32 v9, v15;
	v11 =	vadd.f32 v16, v18  }
0xf2: {  	v13 =	vmul.f32 v5, v5;
	v5 =	vadd.f32 v5, v8;
	v3 =	vadd.f32 v3, v4  }
0xf3: {  	v4 =	vmul.f32 v17, v17;
	v8 =	vadd.f32 v17, v9;
	v0 =	vadd.f32 v10, v0  }
0xf4: {  	v9 =	vadd.f32 v13, v21;
	v10 =	vmul.f32 v10, v10;
	v7 =	vadd.f32 v7, v11  }
0xf5: {  	v11 =	vmul.f32 v12, v12;
	v8 =	vadd.f32 v2, v8;
	v0 =	vadd.f32 v12, v0  }
0xf6: {  	v2 =	vmul.f32 v2, v2;
	v3 =	vadd.f32 v4, v3;
	v4 =	vadd.f32 v10, v6  }
0xf7: {  	v6 =	vadd.f32 v8, v14;
	v0 =	vadd.f32 v5, v0  }
0xf8: {  	v2 =	vadd.f32 v2, v3;
	v3 =	vadd.f32 v11, v4  }
0xf9: {  	v0 =	vadd.f32 v0, v6  }
0xfa: {  	v2 =	vadd.f32 v2, v7;
	v3 =	vadd.f32 v9, v3;
	_ =	sdelay $0x1  }
0xfb: {  	v0 =	vmul.f32 $1.562500000e-02, v0;
	v2 =	vadd.f32 v3, v2  }
0xfc: {  	s19 =	sld [smem:$0x7E9]  }
0xfd: {  	s0 =	sor.u32 $0x390, s2;
	s12 =	sor.u32 $0x300, s10;
	s29 =	rddreg [dreg:$0xb];
	v2 =	vmul.f32 $1.562500000e-02, v2;
	v3 =	vmul.f32 v0, v0  }
0xfe: {  	s25 =	sor.u32 s9, s23;
	[dreg:$0xc] =	wrdreg s0;
	s24 =	sor.u32 s23, s12  }
0xff: {  	s26 =	sor.u32 $0x380, s25;
	[dreg:$0x10] =	wrdreg s24;
	v2 =	vsub.f32 v2, v3  }
0x100: {  	[dreg:$0x11] =	wrdreg s26;
	s2 =	sor.u32 s9, s19  }
0x101: {  	v1 =	vmul.u32 $0x41, v1;
	s6 =	rddreg [dreg:$0xc];
	s20 =	sor.u32 $0x80, s2;
	v2 =	vadd.f32 $9.999999740e-06, v2  }
0x102: {  	s17 =	simm.s32 $0xC;
	s21 =	sor.u32 $0x180, s2;
	[dreg:$0xd] =	wrdreg s20  }
0x103: {  	v23 =	vadd.s32 s17, v1;
	s22 =	sor.u32 $0x280, s2;
	[dreg:$0xe] =	wrdreg s21;
	v3 =	vshra.s32 v2, $0x1;
	v2 =	vmul.f32 $5.000000000e-01, v2  }
0x104: {  	s3 =	sadd.s32 $0x0, s8;
	[dreg:$0xf] =	wrdreg s22;
	v3 =	vsub.s32 $0x5F3759DF, v3  }
0x105: {  	s5 =	simm.s32 $0x2;
	s0 =	sadd.s32 $0x0, s29;
	s6 =	sor.u32 s6, s3;
	v13 =	vld [tilespmem:s1+$0xFFFFF900];
	v4 =	vmul.f32 v3, v2  }
0x106: {  	s30 =	simm.s32 $0x1;
	v12 =	vadd.s32 s5, v1;
	s5 =	sor.u32 $0x80, s0;
	v17 =	vld [tilespmem:s6+$0x0]  }
0x107: {  	v15 =	vld [tilespmem:s5+$0x0];
	v8 =	vadd.s32 s30, v1;
	v4 =	vmul.f32 v3, v4  }
0x108: {  	v23 =	vld.idx.msk [tilespmem:v23+s15+$0x0], $0xffff  }
0x109: {  	s2 =	sor.u32 s12, s3;
	v5 =	vld [tilespmem:s1+$0xFFFFF800];
	v4 =	vsub.f32 $1.500000000e+00, v4  }
0x10a: {  	s10 =	simm.s32 $0x5;
	v11 =	vld [tilespmem:s2+$0x0]  }
0x10b: {  	s11 =	simm.s32 $0xB;
	s14 =	simm.s32 $0xA;
	v19 =	vadd.s32 s10, v1;
	v6 =	vld [tilespmem:s1+$0x0];
	v3 =	vmul.f32 v3, v4  }
0x10c: {  	s16 =	simm.s32 $0x7;
	s18 =	simm.s32 $0x6;
	v20 =	vadd.s32 s11, v1;
	v21 =	vld.idx.msk [tilespmem:v8+s15+$0x0], $0xffff;
	v8 =	vadd.s32 s14, v1  }
0x10d: {  	s7 =	simm.s32 $0x3;
	v22 =	vadd.s32 s16, v1;
	v24 =	vadd.s32 s18, v1;
	s9 =	simm.s32 $0x4;
	s19 =	simm.s32 $0xE;
	v7 =	vld [tilespmem:s1+$0x200];
	v2 =	vmul.f32 v3, v2  }
0x10e: {  	s4 =	simm.s32 $0x9;
	s31 =	simm.s32 $0x8;
	v16 =	vadd.s32 s7, v1;
	v18 =	vadd.s32 s9, v1;
	v25 =	vadd.s32 s19, v1;
	v4 =	vld [tilespmem:s1+$0xFFFFFA00]  }
0x10f: {  	s20 =	simm.s32 $0xD;
	v10 =	vadd.s32 s4, v1;
	v14 =	vadd.s32 s31, v1;
	v9 =	vld [tilespmem:s1+$0x100];
	v2 =	vmul.f32 v2, v3  }
0x110: {  	v26 =	vadd.s32 s20, v1;
	v19 =	vld.idx.msk [tilespmem:v19+s15+$0x0], $0xffff;
	v5 =	vsub.f32 v5, v0;
	v11 =	vsub.f32 v11, v0  }
0x111: {  	v63 =	vand.u32 $0xFFFF0000, v23;
	v13 =	vsub.f32 v13, v0;
	v38 =	vld.idx.msk [tilespmem:v8+s15+$0x0], $0xffff;
	v2 =	vsub.f32 $1.500000000e+00, v2  }
0x112: {  	v23 =	vshll.u32 v23, $0x10;
	v15 =	vsub.f32 v15, v0;
	v17 =	vsub.f32 v17, v0  }
0x113: {  	v12 =	vld.idx.msk [tilespmem:v12+s15+$0x0], $0xffff;
	v6 =	vsub.f32 v6, v0;
	v2 =	vmul.f32 v2, v3;
	v3 =	vsub.f32 v4, v0  }
0x114: {  	s21 =	sor.u32 $0x180, s0;
	v14 =	vld.idx.msk [tilespmem:v14+s15+$0x0], $0xffff;
	v7 =	vsub.f32 v7, v0;
	v9 =	vsub.f32 v9, v0;
	v36 =	vand.u32 $0xFFFF0000, v21  }
0x115: {  	v27 =	vld [tilespmem:s21+$0x0];
	v8 =	vshll.u32 v19, $0x10;
	v3 =	vmul.f32 v3, v2;
	v6 =	vmul.f32 v6, v2  }
0x116: {  	s13 =	simm.s32 $0xF;
	s24 =	simm.s32 $0x800;
	s23 =	rddreg [dreg:$0xf];
	v10 =	vld.idx.msk [tilespmem:v10+s15+$0x0], $0xffff;
	v62 =	vand.u32 $0xFFFF0000, v38;
	v13 =	vmul.f32 v13, v2;
	v29 =	vmul.f32 v11, v2  }
0x117: {  	v16 =	vld.idx.msk [tilespmem:v16+s15+$0x0], $0xffff;
	v4 =	vadd.s32 s13, v1;
	s13 =	sor.u32 s23, s24;
	v30 =	vmul.f32 v7, v2;
	v32 =	vmul.f32 v5, v2  }
0x118: {  	s17 =	sor.u32 $0x280, s0;
	v7 =	vand.u32 $0xFFFF0000, v12;
	v5 =	vmul.f32 v17, v2;
	v33 =	vmul.f32 v9, v2;
	v9 =	vld [tilespmem:s13+$0x0]  }
0x119: {  	s29 =	simm.s32 $0x0;
	v28 =	vld [tilespmem:s17+$0x0];
	s25 =	rddreg [dreg:$0xd];
	v11 =	vand.u32 $0xFFFF0000, v14;
	v12 =	vshll.u32 v12, $0x10;
	v15 =	vmul.f32 v15, v2  }
0x11a: {  	s3 =	sor.u32 s25, s24;
	v17 =	vld.idx.msk [tilespmem:v22+s15+$0x0], $0xffff;
	v7 =	vmul.f32 v7, v13;
	v6 =	vmul.f32 v11, v6;
	v11 =	vadd.s32 s29, v1  }
0x11b: {  	v34 =	vld [tilespmem:s3+$0x0];
	v13 =	vshll.u32 v14, $0x10;
	v14 =	vand.u32 $0xFFFF0000, v10;
	v15 =	vmul.f32 v36, v15  }
0x11c: {  	s26 =	rddreg [dreg:$0x10];
	v31 =	vld.idx.msk [tilespmem:v4+s15+$0x0], $0xffff;
	v4 =	vsub.f32 v27, v0;
	v27 =	vshll.u32 v16, $0x10;
	v16 =	vand.u32 $0xFFFF0000, v16  }
0x11d: {  	s20 =	sor.u32 s26, s24;
	v18 =	vld.idx.msk [tilespmem:v18+s15+$0x0], $0xffff;
	v35 =	vadd.f32 v13, v6;
	v13 =	vshll.u32 v10, $0x10;
	v6 =	vsub.f32 v9, v0  }
0x11e: {  	v22 =	vld [tilespmem:s20+$0x0];
	v37 =	vmul.f32 v4, v2;
	v4 =	vsub.f32 v28, v0;
	v28 =	vadd.f32 v12, v7  }
0x11f: {  	v7 =	vand.u32 $0xFFFF0000, v19;
	v12 =	vand.u32 $0xFFFF0000, v17;
	v19 =	vmul.f32 v6, v2;
	v6 =	vld.idx.msk [tilespmem:v26+s15+$0x0], $0xffff  }
0x120: {  	v9 =	vmul.f32 v4, v2;
	v10 =	vld.idx.msk [tilespmem:v11+s15+$0x0], $0xffff;
	v11 =	vmul.f32 v16, v37;
	v16 =	vshll.u32 v21, $0x10  }
0x121: {  	v5 =	vmul.f32 v12, v5;
	v4 =	vld.idx.msk [tilespmem:v24+s15+$0x0], $0xffff;
	v24 =	vsub.f32 v34, v0;
	v61 =	vadd.f32 v16, v15  }
0x122: {  	s30 =	rddreg [dreg:$0x11];
	v12 =	vld.idx.msk [tilespmem:v20+s15+$0x0], $0xffff;
	v9 =	vmul.f32 v7, v9;
	v7 =	vshll.u32 v17, $0x10;
	v20 =	vadd.f32 v27, v11  }
0x123: {  	s0 =	sor.u32 s30, s24;
	v26 =	vshll.u32 v18, $0x10;
	v16 =	vld.idx.msk [tilespmem:v25+s15+$0x0], $0xffff;
	v17 =	vadd.f32 v7, v5;
	v7 =	vsub.f32 v22, v0  }
0x124: {  	s31 =	rddreg [dreg:$0xe];
	v27 =	vld [tilespmem:s0+$0x0];
	v22 =	vand.u32 $0xFFFF0000, v18;
	v5 =	vand.u32 $0xFFFF0000, v31;
	[tilespmem:s21+$0xC000] =	vst v20;
	v20 =	vmul.f32 v62, v33  }
0x125: {  	v25 =	vand.u32 $0xFFFF0000, v6;
	v11 =	vmul.f32 v7, v2;
	v7 =	vshll.u32 v31, $0x10  }
0x126: {  	[tilespmem:s28+$0xFFFFF900] =	vst v28;
	v15 =	vand.u32 $0xFFFF0000, v10;
	v21 =	vand.u32 $0xFFFF0000, v4;
	v28 =	vshll.u32 v10, $0x10  }
0x127: {  	[tilespmem:s28+$0x0] =	vst v35;
	v31 =	vmul.f32 v15, v32;
	v15 =	vshll.u32 v38, $0x10;
	v10 =	vmul.f32 v21, v29  }
0x128: {  	s9 =	simm.s32 $0x1000;
	s18 =	sor.u32 s31, s24;
	[tilespmem:s6+$0xC000] =	vst v17;
	v21 =	vand.u32 $0xFFFF0000, v12;
	v17 =	vmul.f32 v25, v19;
	v25 =	vmul.f32 v63, v30  }
0x129: {  	s19 =	sadd.s32 $0x1000, s28;
	s22 =	simm.s32 $0x10;
	s1 =	sadd.s32 $0x1000, s1;
	[tilespmem:s5+$0xC000] =	vst v61;
	v19 =	vand.u32 $0xFFFF0000, v16;
	v18 =	vsub.f32 v27, v0;
	v27 =	vld [tilespmem:s18+$0x0];
	v28 =	vadd.f32 v28, v31  }
.LBB2_10:
0x12a: {  	s4 =	rddreg [dreg:$0xb];
	v24 =	vmul.f32 v24, v2  }
0x12b: {  	s5 =	sadd.s32 $0x1, s22;
	s6 =	sadd.s32 $0x2, s22;
	v29 =	vld [tilespmem:s1+$0xFFFFFA00];
	s21 =	sadd.s32 $0x3, s22;
	v3 =	vmul.f32 v22, v3;
	v6 =	vshll.u32 v6, $0x10;
	v4 =	vshll.u32 v4, $0x10  }
0x12c: {  	s7 =	sadd.s32 s9, s8;
	s23 =	sadd.s32 $0x9, s22;
	s14 =	rddreg [dreg:$0xc];
	v32 =	vld [tilespmem:s1+$0x0];
	v11 =	vmul.f32 v19, v11;
	[tilespmem:s28+$0xFFFFF800] =	vst v28;
	v28 =	vshll.u32 v12, $0x10;
	v30 =	vadd.s32 s5, v1  }
0x12d: {  	v35 =	vld [tilespmem:s1+$0x200];
	s29 =	sadd.s32 $0xF, s22;
	s30 =	sadd.s32 $0x7, s22;
	s31 =	sadd.s32 $0xC, s22;
	v31 =	vadd.s32 s6, v1;
	v22 =	vadd.s32 s21, v1;
	v34 =	vadd.s32 s23, v1  }
0x12e: {  	v36 =	vld [tilespmem:s1+$0x100];
	s4 =	sadd.s32 s9, s4;
	v37 =	vadd.s32 s29, v1;
	s5 =	sor.u32 s14, s7;
	v40 =	vadd.s32 s30, v1;
	v41 =	vadd.s32 s31, v1  }
0x12f: {  	s24 =	sadd.s32 $0x4, s22;
	v6 =	vadd.f32 v6, v17;
	v17 =	vmul.f32 v18, v2;
	v4 =	vadd.f32 v4, v10;
	s6 =	sor.u32 $0x80, s4;
	v42 =	vld [tilespmem:s5+$0x0]  }
0x130: {  	s10 =	sadd.s32 $0x5, s22;
	v24 =	vmul.f32 v14, v24;
	v14 =	vadd.s32 s24, v1;
	v3 =	vadd.f32 v26, v3;
	v39 =	vld [tilespmem:s6+$0x0]  }
0x131: {  	s23 =	sadd.s32 $0x8, s22;
	v26 =	vadd.s32 s10, v1;
	v5 =	vmul.f32 v5, v17;
	v12 =	vsub.f32 v27, v0;
	v27 =	vld [tilespmem:s1+$0xFFFFF800]  }
0x132: {  	s21 =	sor.u32 s12, s7;
	s24 =	sadd.s32 $0xA, s22;
	v13 =	vadd.f32 v13, v24;
	[tilespmem:s28+$0xFFFFFA00] =	vst v3;
	v3 =	vadd.f32 v23, v25;
	v23 =	vld [tilespmem:s1+$0xFFFFF900];
	v25 =	vadd.s32 s23, v1  }
0x133: {  	v38 =	vadd.s32 s24, v1;
	s23 =	sadd.s32 $0x6, s22;
	v24 =	vsub.f32 v29, v0;
	v29 =	vld [tilespmem:s21+$0x0];
	v5 =	vadd.f32 v7, v5  }
0x134: {  	s25 =	sadd.s32 $0xB, s22;
	v57 =	vadd.s32 s23, v1;
	v33 =	vmul.f32 v12, v2;
	[tilespmem:s28+$0x200] =	vst v3;
	v3 =	vadd.f32 v8, v9;
	v30 =	vld.idx.msk [tilespmem:v30+s15+$0x0], $0xffff  }
0x135: {  	s29 =	sadd.s32 $0xE, s22;
	v12 =	vadd.s32 s25, v1;
	[tilespmem:s3+$0xC000] =	vst v13;
	v13 =	vshll.u32 v16, $0x10;
	v17 =	vld.idx.msk [tilespmem:v22+s15+$0x0], $0xffff;
	v22 =	vsub.f32 v36, v0  }
0x136: {  	v16 =	vadd.s32 s29, v1;
	v11 =	vadd.f32 v13, v11;
	[tilespmem:s17+$0xC000] =	vst v3;
	v3 =	vadd.f32 v15, v20;
	v15 =	vld.idx.msk [tilespmem:v31+s15+$0x0], $0xffff  }
0x137: {  	s30 =	sadd.s32 $0xD, s22;
	v21 =	vmul.f32 v21, v33;
	v19 =	vsub.f32 v39, v0;
	v8 =	vsub.f32 v27, v0;
	v18 =	vld.idx.msk [tilespmem:v25+s15+$0x0], $0xffff  }
0x138: {  	s16 =	sor.u32 $0x280, s4;
	s14 =	sor.u32 $0x180, s4;
	[tilespmem:s13+$0xC000] =	vst v6;
	v9 =	vadd.s32 s30, v1;
	v20 =	vsub.f32 v23, v0;
	v23 =	vsub.f32 v32, v0;
	v6 =	vld.idx.msk [tilespmem:v26+s15+$0x0], $0xffff  }
0x139: {  	s17 =	smov.u32 s16;
	v25 =	vld [tilespmem:s14+$0x0];
	v21 =	vadd.f32 v28, v21;
	v27 =	vsub.f32 v29, v0;
	[tilespmem:s28+$0x100] =	vst v3;
	v3 =	vmul.f32 v24, v2  }
0x13a: {  	v10 =	vld [tilespmem:s17+$0x0];
	[tilespmem:s20+$0xC000] =	vst v11;
	v24 =	vsub.f32 v42, v0;
	v19 =	vmul.f32 v19, v2;
	v23 =	vmul.f32 v23, v2  }
0x13b: {  	v11 =	vld.idx.msk [tilespmem:v40+s15+$0x0], $0xffff;
	v13 =	vmul.f32 v20, v2;
	v20 =	vsub.f32 v35, v0;
	v26 =	vmul.f32 v8, v2  }
0x13c: {  	s24 =	rddreg [dreg:$0xd];
	s23 =	sadd.s32 $0x800, s9;
	v28 =	vld.idx.msk [tilespmem:v34+s15+$0x0], $0xffff;
	v58 =	vand.u32 $0xFFFF0000, v30;
	[tilespmem:s18+$0xC000] =	vst v21;
	v21 =	vmul.f32 v27, v2;
	v24 =	vmul.f32 v24, v2  }
0x13d: {  	s26 =	rddreg [dreg:$0xf];
	s3 =	sor.u32 s24, s23;
	v7 =	vand.u32 $0xFFFF0000, v15;
	v29 =	vmul.f32 v20, v2;
	v20 =	vld.idx.msk [tilespmem:v37+s15+$0x0], $0xffff;
	[tilespmem:s0+$0xC000] =	vst v5;
	v5 =	vshll.u32 v15, $0x10  }
0x13e: {  	s11 =	smov.u32 s22;
	[tilespmem:s2+$0xC000] =	vst v4;
	s26 =	sor.u32 s26, s23;
	v31 =	vld [tilespmem:s3+$0x0];
	v4 =	vsub.f32 v25, v0;
	v8 =	vand.u32 $0xFFFF0000, v18;
	v25 =	vmul.f32 v22, v2  }
0x13f: {  	s13 =	smov.u32 s26;
	v15 =	vld.idx.msk [tilespmem:v41+s15+$0x0], $0xffff;
	v7 =	vmul.f32 v7, v13;
	v13 =	vadd.s32 s11, v1;
	v18 =	vshll.u32 v18, $0x10  }
0x140: {  	s31 =	rddreg [dreg:$0x10];
	v22 =	vld [tilespmem:s13+$0x0];
	v61 =	vand.u32 $0xFFFF0000, v11;
	v8 =	vmul.f32 v8, v23;
	v23 =	vshll.u32 v17, $0x10  }
0x141: {  	s24 =	sor.u32 s31, s23;
	v59 =	vld.idx.msk [tilespmem:v14+s15+$0x0], $0xffff;
	v27 =	vmul.f32 v4, v2;
	v4 =	vsub.f32 v10, v0;
	v5 =	vadd.f32 v5, v7  }
0x142: {  	s20 =	smov.u32 s24;
	v17 =	vand.u32 $0xFFFF0000, v17;
	v14 =	vand.u32 $0xFFFF0000, v28;
	v10 =	vld.idx.msk [tilespmem:v38+s15+$0x0], $0xffff;
	v8 =	vadd.f32 v18, v8  }
0x143: {  	v7 =	vand.u32 $0xFFFF0000, v6;
	v18 =	vld [tilespmem:s20+$0x0];
	v60 =	vmul.f32 v4, v2;
	[tilespmem:s19+$0xFFFFF900] =	vst v5;
	v5 =	vmul.f32 v61, v24  }
0x144: {  	v24 =	vsub.f32 v31, v0;
	v31 =	vand.u32 $0xFFFF0000, v15;
	[tilespmem:s19+$0x0] =	vst v8;
	v8 =	vshll.u32 v6, $0x10;
	v6 =	vld.idx.msk [tilespmem:v9+s15+$0x0], $0xffff  }
0x145: {  	v22 =	vsub.f32 v22, v0;
	v63 =	vld.idx.msk [tilespmem:v13+s15+$0x0], $0xffff;
	v13 =	vshll.u32 v28, $0x10;
	v9 =	vmul.f32 v7, v60  }
0x146: {  	s25 =	rddreg [dreg:$0x11];
	v16 =	vld.idx.msk [tilespmem:v16+s15+$0x0], $0xffff;
	v7 =	vshll.u32 v11, $0x10;
	v11 =	vmul.f32 v17, v27;
	v17 =	vmul.f32 v58, v19  }
0x147: {  	s31 =	sor.u32 s25, s23;
	v4 =	vld.idx.msk [tilespmem:v57+s15+$0x0], $0xffff;
	v62 =	vmul.f32 v22, v2;
	v5 =	vadd.f32 v7, v5;
	v22 =	vand.u32 $0xFFFF0000, v59  }
0x148: {  	s0 =	smov.u32 s31;
	v12 =	vld.idx.msk [tilespmem:v12+s15+$0x0], $0xffff;
	v7 =	vsub.f32 v18, v0;
	v18 =	vshll.u32 v30, $0x10;
	v11 =	vadd.f32 v23, v11  }
0x149: {  	v19 =	vld [tilespmem:s0+$0x0];
	v30 =	vand.u32 $0xFFFF0000, v10;
	v23 =	vshll.u32 v15, $0x10;
	v15 =	vshll.u32 v10, $0x10  }
0x14a: {  	p0 =	slt.u32 s22, $0x30;
	[tilespmem:s5+$0xC000] =	vst v5;
	v5 =	vand.u32 $0xFFFF0000, v20;
	v17 =	vadd.f32 v18, v17;
	v18 =	vand.u32 $0xFFFF0000, v6  }
.Ltmp3:
0x14b: {  	[tilespmem:s14+$0xC000] =	vst v11;
	v11 =	vmul.f32 v7, v2;
	v7 =	vshll.u32 v20, $0x10;
	v20 =	vand.u32 $0xFFFF0000, v63;
	(pc) =	sbr.rel @p0 .LBB2_10-.Ltmp3, $4  }
0x14c: {  	s29 =	rddreg [dreg:$0xe];
	v28 =	vshll.u32 v63, $0x10;
	[tilespmem:s6+$0xC000] =	vst v17;
	v17 =	vand.u32 $0xFFFF0000, v4;
	v20 =	vmul.f32 v20, v26  }
0x14d: {  	s1 =	sadd.s32 $0x1000, s1;
	s2 =	smov.u32 s21;
	s7 =	sor.u32 s29, s23;
	v26 =	vshll.u32 v59, $0x10;
	v10 =	vmul.f32 v17, v21;
	v21 =	vand.u32 $0xFFFF0000, v12  }
0x14e: {  	s9 =	sadd.s32 $0x1000, s9;
	s30 =	sadd.s32 $0x10, s22;
	s18 =	smov.u32 s7;
	v17 =	vmul.f32 v18, v62;
	v18 =	vsub.f32 v19, v0;
	v19 =	vand.u32 $0xFFFF0000, v16  }
0x14f: {  	s22 =	smov.u32 s30;
	s28 =	smov.u32 s19;
	s19 =	sadd.s32 $0x1000, s19;
	v27 =	vld [tilespmem:s18+$0x0];
	v28 =	vadd.f32 v28, v20;
	v20 =	vmul.f32 v30, v25;
	v25 =	vmul.f32 v31, v29  }
0x150: {  	_ =	sdelay $0x2  }
0x151: {  	v55 =	vadd.f32 v8, v9  }
0x152: {  	v1 =	vmul.f32 v24, v2;
	[tilespmem:s28+$0xFFFFF800] =	vst v28;
	v54 =	vadd.f32 v23, v25;
	v0 =	vsub.f32 v27, v0  }
0x153: {  	v3 =	vmul.f32 v22, v3;
	v6 =	vshll.u32 v6, $0x10;
	v56 =	vadd.f32 v15, v20;
	[tilespmem:s17+$0xC000] =	vst v55  }
0x154: {  	v59 =	vmul.f32 v19, v11;
	v57 =	vadd.f32 v6, v17;
	[tilespmem:s28+$0x200] =	vst v54;
	v0 =	vmul.f32 v0, v2  }
0x155: {  	v60 =	vshll.u32 v16, $0x10;
	v1 =	vmul.f32 v14, v1;
	v3 =	vadd.f32 v26, v3;
	[tilespmem:s28+$0x100] =	vst v56  }
0x156: {  	v62 =	vadd.f32 v60, v59;
	[tilespmem:s13+$0xC000] =	vst v57;
	v0 =	vmul.f32 v21, v0  }
0x157: {  	v12 =	vshll.u32 v12, $0x10;
	v58 =	vmul.f32 v18, v2;
	v1 =	vadd.f32 v13, v1;
	[tilespmem:s28+$0xFFFFFA00] =	vst v3  }
0x158: {  	[tilespmem:s20+$0xC000] =	vst v62;
	v0 =	vadd.f32 v12, v0  }
0x159: {  	v61 =	vshll.u32 v4, $0x10;
	[tilespmem:s3+$0xC000] =	vst v1;
	v2 =	vmul.f32 v5, v58  }
0x15a: {  	v3 =	vadd.f32 v61, v10;
	[tilespmem:s18+$0xC000] =	vst v0  }
0x15b: {  	v63 =	vadd.f32 v7, v2;
	s4 =	sld [smem:$0x7F0]  }
0x15c: {  	s3 =	sld [smem:$0x7EB];
	[tilespmem:s2+$0xC000] =	vst v3  }
0x15d: {  	s2 =	sld [smem:$0x7EC];
	[tilespmem:s0+$0xC000] =	vst v63  }
0x15e: {  	s11 =	sld [smem:$0x7ED];
	p0 =	slt.u32 s4, $0xE  }
.Ltmp4:
0x15f: {  	s10 =	sld [smem:$0x7EF];
	(pc) =	sbr.rel @p0 .LBB2_3-.Ltmp4, $4  }
0x160: {  	s9 =	sld [smem:$0x7EA]  }
0x161: {  	s8 =	sadd.s32 $0x100, s8  }
0x162: {  	s12 =	sadd.s32 $0x2, s4;
	s3 =	sadd.s32 $0x100, s3;
	s2 =	sadd.s32 $0x1, s2  }
0x163: {  	s11 =	sadd.s32 $0x20, s11;
	s10 =	sadd.s32 $0x2, s10;
	s9 =	sadd.s32 $0x20, s9  }
0x164: {  	s9 =	sld [smem:$0x7F2]  }
0x165: {  	s6 =	sld [smem:$0x7F5]  }
0x166: {  	s2 =	sld [smem:$0x7F6]  }
0x167: {  	s3 =	rddreg [dreg:$0x19]  }
0x168: {  	s4 =	simm.s32 $0x800000;
	s28 =	rddreg [dreg:$0x1d]  }
0x169: {  	s5 =	simm.s32 $0x800;
	s8 =	sld [smem:$0x7F4];
	s0 =	sshll.u32 s9, $0x8  }
0x16a: {  	s1 =	sadd.s32 $0xC000, s6;
	s2 =	sadd.s32 $0x7, s2;
	s3 =	sadd.s32 s0, s3  }
0x16b: {  	[hbm4b:s3+s5] =	stream.strided.scatter [tilespmem:s1], [sflag:s2], $0x4000, s4, s5, $0x38;
	[tilespmem:$0x18580] =	vst v63  }
0x16c: {  	s1 =	rddreg [dreg:$0x1a]  }
0x16d: {  	p0 =	sgt.u32 s9, $0x7C;
	s4 =	sld [smem:$0x7F1]  }
0x16e: {  	s0 =	sadd.s32 @!p0 s0, s1;
	s1 =	rddreg [dreg:$0x0]  }
0x16f: {  	s2 =	simm.s32 @!p0 $0x800;
	s3 =	simm.s32 @!p0 $0x800000;
	s1 =	sadd.s32 @!p0 s1, s0  }
0x170: {  	[tilespmem:s6], [sflag:s4] =	stream.strided.gather @!p0 [hbm4b:s1+s2], $0x4000, s3, s2, $0x38;
	[tilespmem:$0x18580] =	vst v63  }
0x171: {  	s2 =	sld [smem:$0x7F3]  }
0x172: {  	s3 =	sld [smem:$0x7F7]  }
0x173: {  	s0 =	sshrl.u32 @!p0 s0, $0x3;
	s1 =	rddreg [dreg:$0x1]  }
0x174: {  	s9 =	sadd.s32 $0x1, s9;
	s0 =	sadd.s32 @!p0 s1, s0;
	s1 =	simm.s32 @!p0 $0x0  }
0x175: {  	[tilespmem:s3], [sflag:s2] =	stream.linear.gather @!p0 [hbm4b:s0+s1], $0x100, $0x38;
	[tilespmem:$0x18580] =	vst v63  }
0x176: {  	s7 =	sld [smem:$0x7F9];
	p0 =	sne.s32 s9, $0x80  }
.Ltmp5:
0x177: {  	s29 =	rddreg [dreg:$0x1e];
	(pc) =	sbr.rel @p0 .LBB2_2-.Ltmp5, $4  }
0x178: {  	s31 =	sld [smem:$0x7FC]  }
0x179: {  	s30 =	rddreg [dreg:$0x1f]  }
0x17a: {  	s8 =	sadd.s32 $0x4000, s8;
	s7 =	sadd.s32 $0x4000, s7;
	s5 =	sadd.s32 $0x4000, s30  }
0x17b: {  	s4 =	sadd.s32 $0x4000, s29;
	s6 =	sadd.s32 $0x4000, s31;
	s3 =	sadd.s32 $0x4000, s28  }
0x17c: {  	s0 =	simm.s32 $0x7  }
0x17d: {  	_ =	swait.ge [sflag:s0], $0x4000  }
0x17e: {  	[sflag:s0] =	ssyncset.done $0x0  }
0x17f: {  	s30 =	simm.s32 $0x8;
	[sflag:s0] =	ssyncadd.s32 $0xFFFFC000  }
0x180: {  	_ =	swait.ge [sflag:s30], $0x4000  }
0x181: {  	[sflag:s30] =	ssyncset.done $0x0  }
0x182: {  	s1 =	simm.s32 $0x9;
	[sflag:s30] =	ssyncadd.s32 $0xFFFFC000  }
0x183: {  	_ =	swait.ge [sflag:s1], $0x4000  }
0x184: {  	s2 =	rddreg [dreg:$0x1c]  }
0x185: {  	s31 =	rddreg [dreg:$0x1b];
	s2 =	sadd.s32 $0x1, s2  }
0x186: {  	p0 =	sne.s32 s2, s31  }
.Ltmp6:
0x187: {  	_ = 	snop;
	(pc) =	sbr.rel @p0 .LBB2_1-.Ltmp6, $3  }
0x188: {  	_ =	sdelay $0x1  }
0x189: {  	[sflag:s1] =	ssyncset.done $0x0  }
0x18a: {  	[sflag:s1] =	ssyncadd.s32 $0xFFFFC000  }
0x18b: {  	_ =	sfence.sel $0x180000  }
0x18c: {  	[bflag:$0x0] =	sbarrier.arrive $0xFFFF  }
0x18d: {  	_ =	strace $0x90000047  }
0x18e: {  	s0 =	stileid.u32;
	[bflag:$0x2] =	sbarrier.arrive $0xFFFF  }
0x18f: {  	p0 =	sne.s32 s0, $0x0;
	s0 =	rddreg [dreg:$0x4]  }
0x190: {  	s0 =	sadd.s32 @!p0 $0x100000, s0  }
0x191: {  	[sflag:s0] =	ssyncadd.tile.s32 @!p0 $0x1;
	_ =	shalt  }
.Lfunc_end2:
_tile_overlayer_lowered:
.L_overlay_start_2:
0x192: {  	(tag) =	ssettag $0x2  }
0x193: {  	s0 =	rddreg [dreg:$0x0];
	s2 =	stileid.u32  }
0x194: {  	s1 =	rddreg [dreg:$0x1];
	p0 =	sne.s32 s2, $0x0  }
0x195: {  	s3 =	rddreg [dreg:$0x2];
	[bflag:$0x3] =	sbarrier.arrive $0xFFFF;
	s2 =	simm.s32 @!p0 $0x1C0A  }
0x196: {  	[timem:s3], [sflag:s2] =	dma.local @!p0 [hbm:s0], s1  }
0x197: {  	s0 =	simm.s32 @!p0 $0xA  }
0x198: {  	_ =	swait.ge @!p0 [sflag:s0], s1  }
0x199: {  	s1 =	ssub.s32 @!p0 $0x0, s1;
	[sflag:s0] =	ssyncset.done @!p0 $0x0  }
0x19a: {  	[sflag:s0] =	ssyncadd.s32 @!p0 s1  }
0x19b: {  	[bflag:$0x3] =	sbarrier.arrive $0xFFFF  }
0x19c: {  	_ =	shalt  }

</sc_bundles>
